<compile_context>
chip_gen: v7x
topology: tpu7x:2x2x1
jax: 0.10.2.dev20260603
libtpu: 0.0.44.dev20260713+nightly
codegen_flags: <defaults>
</compile_context>

<pallas_src>
import jax
import jax.numpy as jnp
from jax.experimental import pallas as pl
from jax.experimental.pallas import tpu as pltpu


def _gelu_exact(v):
    s = v * 0.7071067811865476
    a = jnp.abs(s)
    t = 1.0 / (1.0 + 0.3275911 * a)
    poly = t * (0.254829592 + t * (-0.284496736 + t * (
        1.421413741 + t * (-1.453152027 + t * 1.061405429))))
    erf_abs = 1.0 - poly * jnp.exp(-a * a)
    erf = jnp.sign(s) * erf_abs
    return 0.5 * v * (1.0 + erf)


_TOP_K = 2
_CAP_FACTOR, _MIN_CAP = 1.25, 4
_Z_COEF, _LB_COEF = 0.001, 0.01


def _router_kernel(x_ref, wr_ref,
                   e1_ref, e2_ref, w1_ref, w2_ref, r1_ref, r2_ref,
                   loads_ref, imp_ref, load_ref, z_ref, cnt_ref):
    i = pl.program_id(0)
    x = x_ref[...]
    logits = jnp.dot(x, wr_ref[...], preferred_element_type=jnp.float32)
    m = jnp.max(logits, axis=-1, keepdims=True)
    ex = jnp.exp(logits - m)
    se = jnp.sum(ex, axis=-1, keepdims=True)
    probs = ex / se
    lse = jnp.log(se[:, 0]) + m[:, 0]

    n_e = probs.shape[-1]
    bt = probs.shape[0]
    cols = jax.lax.broadcasted_iota(jnp.int32, probs.shape, 1)
    p1 = jnp.max(probs, axis=-1)
    i1 = jnp.min(jnp.where(probs == p1[:, None], cols, n_e), axis=-1)
    masked = jnp.where(cols == i1[:, None], -1.0, probs)
    p2 = jnp.max(masked, axis=-1)
    i2 = jnp.min(jnp.where(masked == p2[:, None], cols, n_e), axis=-1)
    denom = jnp.clip(p1 + p2, 1e-9, None)

    e1_ref[...] = i1.astype(jnp.int32)
    e2_ref[...] = i2.astype(jnp.int32)
    w1_ref[...] = p1 / denom
    w2_ref[...] = p2 / denom

    onehot1 = (cols == i1[:, None]).astype(jnp.float32)
    onehot2 = (cols == i2[:, None]).astype(jnp.float32)
    onehot = onehot1 + onehot2
    rows_i = jax.lax.broadcasted_iota(jnp.int32, (bt, bt), 0)
    cols_i = jax.lax.broadcasted_iota(jnp.int32, (bt, bt), 1)
    tri = (rows_i > cols_i).astype(jnp.float32)
    prior = jnp.dot(tri, onehot, preferred_element_type=jnp.float32)

    @pl.when(i == 0)
    def _():
        cnt_ref[...] = jnp.zeros_like(cnt_ref)
        imp_ref[...] = jnp.zeros_like(imp_ref)
        load_ref[...] = jnp.zeros_like(load_ref)
        z_ref[...] = jnp.zeros_like(z_ref)

    base = cnt_ref[...]
    rank_e = prior + base
    r1_ref[...] = jnp.sum(rank_e * onehot1, axis=1).astype(jnp.int32)
    r2_ref[...] = jnp.sum(rank_e * onehot2, axis=1).astype(jnp.int32)
    cnt_new = base + jnp.sum(onehot, axis=0, keepdims=True)
    cnt_ref[...] = cnt_new
    loads_ref[...] = cnt_new

    imp_ref[...] += jnp.sum(probs, axis=0)[None, :]
    load_ref[...] += jnp.sum(onehot1, axis=0)[None, :]
    z_ref[...] += jnp.sum(lse * lse).reshape(1, 1)


def _expert_ffn_kernel(ws_ref, xd_ref, w1_ref, b1_ref, w2_ref, b2_ref, out_ref):
    x = xd_ref[...]
    h = jnp.dot(x, w1_ref[0], preferred_element_type=jnp.float32) + b1_ref[0]
    h = _gelu_exact(h)
    y = jnp.dot(h, w2_ref[0], preferred_element_type=jnp.float32) + b2_ref[0]
    ws = ws_ref[...]
    out_ref[...] = y * ws[0, 0, :, None]


def _fb_ffn_kernel(x_ref, fw1_ref, fb1_ref, fw2_ref, fb2_ref, out_ref):
    x = x_ref[...]
    h = jnp.dot(x, fw1_ref[...], preferred_element_type=jnp.float32) + fb1_ref[...]
    h = _gelu_exact(h)
    out_ref[...] = jnp.dot(h, fw2_ref[...], preferred_element_type=jnp.float32) + fb2_ref[...]


def kernel(x, Wr, W1, b1, W2, b2, fb_w1, fb_b1, fb_w2, fb_b2):
    Bc, Sc, D = x.shape
    T = Bc * Sc
    E = Wr.shape[1]
    DFF = W1.shape[2]
    cap = max(int(_CAP_FACTOR * (T * _TOP_K / E)), _MIN_CAP)
    x_flat = x.reshape(T, D)

    BT = 512
    nb = T // BT
    router = pl.pallas_call(
        _router_kernel,
        grid=(nb,),
        in_specs=[
            pl.BlockSpec((BT, D), lambda i: (i, 0)),
            pl.BlockSpec((D, E), lambda i: (0, 0)),
        ],
        out_specs=[
            pl.BlockSpec((BT,), lambda i: (i,)),
            pl.BlockSpec((BT,), lambda i: (i,)),
            pl.BlockSpec((BT,), lambda i: (i,)),
            pl.BlockSpec((BT,), lambda i: (i,)),
            pl.BlockSpec((BT,), lambda i: (i,)),
            pl.BlockSpec((BT,), lambda i: (i,)),
            pl.BlockSpec((1, E), lambda i: (0, 0)),
            pl.BlockSpec((1, E), lambda i: (0, 0)),
            pl.BlockSpec((1, E), lambda i: (0, 0)),
            pl.BlockSpec((1, 1), lambda i: (0, 0)),
        ],
        out_shape=[
            jax.ShapeDtypeStruct((T,), jnp.int32),
            jax.ShapeDtypeStruct((T,), jnp.int32),
            jax.ShapeDtypeStruct((T,), jnp.float32),
            jax.ShapeDtypeStruct((T,), jnp.float32),
            jax.ShapeDtypeStruct((T,), jnp.int32),
            jax.ShapeDtypeStruct((T,), jnp.int32),
            jax.ShapeDtypeStruct((1, E), jnp.float32),
            jax.ShapeDtypeStruct((1, E), jnp.float32),
            jax.ShapeDtypeStruct((1, E), jnp.float32),
            jax.ShapeDtypeStruct((1, 1), jnp.float32),
        ],
        scratch_shapes=[pltpu.VMEM((1, E), jnp.float32)],
        compiler_params=pltpu.CompilerParams(
            dimension_semantics=("arbitrary",)),
    )
    e1, e2, w1n, w2n, rank1, rank2, loads_f, imp, load, zsum = router(x_flat, Wr)

    loads = loads_f[0].astype(jnp.int32)
    no_ovf = jnp.max(loads) <= cap
    tok = jnp.arange(T, dtype=jnp.int32)
    SEN = E * cap

    def _fast():
        fmask = jnp.zeros((T,), bool)
        return fmask, e1 * cap + rank1, e2 * cap + rank2, loads

    def _slow():
        def rbody(carry, e):
            fmask, pos1, pos2 = carry
            m0 = e1 == e
            m1 = e2 == e
            kept = (m0 | m1) & jnp.logical_not(fmask)
            k32 = kept.astype(jnp.int32)
            ki = jnp.cumsum(k32) - k32
            process = kept & (ki < cap)
            overflow = kept & (ki >= cap)
            p = e * cap + ki
            pos1 = jnp.where(process & m0, p, pos1)
            pos2 = jnp.where(process & m1, p, pos2)
            n = jnp.sum(process.astype(jnp.int32))
            return (fmask | overflow, pos1, pos2), n

        init = (jnp.zeros((T,), bool),
                jnp.full((T,), SEN, jnp.int32),
                jnp.full((T,), SEN, jnp.int32))
        (fmask, pos1, pos2), N = jax.lax.scan(
            rbody, init, jnp.arange(E, dtype=jnp.int32))
        return fmask, pos1, pos2, N

    fmask, pos1, pos2, N = jax.lax.cond(no_ovf, _fast, _slow)

    buf = jnp.zeros((SEN + 1,), jnp.int32).at[pos1].set(tok).at[pos2].set(tok)
    TI = buf[:SEN].reshape(E, cap)
    eids = jnp.arange(E, dtype=jnp.int32)[:, None]
    w_slot = jnp.where(e1[TI] == eids, w1n[TI], w2n[TI])
    w_slot = jnp.where(jnp.arange(cap)[None, :] < N[:, None], w_slot, 0.0)
    x_d = x_flat[TI.reshape(-1)]

    BTB = 256
    ncb = cap // BTB
    expert_ffn = pl.pallas_call(
        _expert_ffn_kernel,
        grid=(E, ncb),
        in_specs=[
            pl.BlockSpec((1, 1, BTB), lambda e, c: (e, 0, c)),
            pl.BlockSpec((BTB, D), lambda e, c: (e * ncb + c, 0)),
            pl.BlockSpec((1, D, DFF), lambda e, c: (e, 0, 0)),
            pl.BlockSpec((1, 1, DFF), lambda e, c: (e, 0, 0)),
            pl.BlockSpec((1, DFF, D), lambda e, c: (e, 0, 0)),
            pl.BlockSpec((1, 1, D), lambda e, c: (e, 0, 0)),
        ],
        out_specs=pl.BlockSpec((BTB, D), lambda e, c: (e * ncb + c, 0)),
        out_shape=jax.ShapeDtypeStruct((SEN, D), jnp.float32),
        compiler_params=pltpu.CompilerParams(
            dimension_semantics=("arbitrary", "arbitrary")),
    )
    y_d = expert_ffn(w_slot.reshape(E, 1, cap), x_d,
                     W1, b1.reshape(E, 1, DFF), W2, b2.reshape(E, 1, D))

    y_d_pad = jnp.concatenate([y_d, jnp.zeros((1, D), jnp.float32)], axis=0)
    y_comb = y_d_pad[pos1] + y_d_pad[pos2]

    def _no_fb(yc):
        return yc

    def _with_fb(yc):
        fb = pl.pallas_call(
            _fb_ffn_kernel,
            grid=(nb,),
            in_specs=[
                pl.BlockSpec((BT, D), lambda i: (i, 0)),
                pl.BlockSpec((D, DFF), lambda i: (0, 0)),
                pl.BlockSpec((1, DFF), lambda i: (0, 0)),
                pl.BlockSpec((DFF, D), lambda i: (0, 0)),
                pl.BlockSpec((1, D), lambda i: (0, 0)),
            ],
            out_specs=pl.BlockSpec((BT, D), lambda i: (i, 0)),
            out_shape=jax.ShapeDtypeStruct((T, D), jnp.float32),
            compiler_params=pltpu.CompilerParams(
                dimension_semantics=("arbitrary",)),
        )
        y_fb = fb(x_flat, fb_w1, fb_b1.reshape(1, DFF), fb_w2, fb_b2.reshape(1, D))
        return jnp.where(fmask[:, None], y_fb, yc)

    y_flat = jax.lax.cond(no_ovf, _no_fb, _with_fb, y_comb)
    y = y_flat.reshape(Bc, Sc, D)

    z_loss = (zsum[0, 0] / T) * _Z_COEF
    impv = imp[0]
    loadv = load[0]
    impv = impv / jnp.clip(impv.sum(), 1e-9, None)
    loadv = loadv / jnp.clip(loadv.sum(), 1e-9, None)
    lb_loss = jnp.sum(impv * loadv) * (E ** 2) * _LB_COEF
    return (y, z_loss, lb_loss)

# --- scband reference (transcript-rebuilt; emitter-appended) ---
"""Pipeline reference for scband-safe-mo-e-64673617543272 (READ-ONLY COPY).

The authoritative reference and input builder live on the scoring server;
editing this copy changes nothing except your own understanding.
"""

import jax, jax.numpy as jnp
import numpy as np

B, S, D_MODEL, D_FF, E, TOP_K = 4, 8192, 1024, 512, 64, 2
CAP_FACTOR, MIN_CAP = 1.25, 4
Z_COEF, LB_COEF = 0.001, 0.01

def _gelu(v):
    return jax.nn.gelu(v, approximate=False)

def setup_inputs(seed: int = 0):
    key = jax.random.key(seed)
    ks = jax.random.split(key, 10)
    x = jax.random.normal(ks[0], (B, S, D_MODEL), dtype=jnp.float32)
    Wr = jax.random.normal(ks[1], (D_MODEL, E), dtype=jnp.float32) * 0.02
    W1 = jax.random.normal(ks[2], (E, D_MODEL, D_FF), dtype=jnp.float32) * 0.02
    b1 = jnp.zeros((E, D_FF), dtype=jnp.float32)
    W2 = jax.random.normal(ks[3], (E, D_FF, D_MODEL), dtype=jnp.float32) * 0.02
    b2 = jnp.zeros((E, D_MODEL), dtype=jnp.float32)
    fb_w1 = jax.random.normal(ks[4], (D_MODEL, D_FF), dtype=jnp.float32) * 0.02
    fb_b1 = jnp.zeros((D_FF,), dtype=jnp.float32)
    fb_w2 = jax.random.normal(ks[5], (D_FF, D_MODEL), dtype=jnp.float32) * 0.02
    fb_b2 = jnp.zeros((D_MODEL,), dtype=jnp.float32)
    return {'x': x, 'Wr': Wr, 'W1': W1, 'b1': b1, 'W2': W2, 'b2': b2, 'fb_w1': fb_w1, 'fb_b1': fb_b1, 'fb_w2': fb_w2, 'fb_b2': fb_b2}

def reference(x, Wr, W1, b1, W2, b2, fb_w1, fb_b1, fb_w2, fb_b2):
    Bc, Sc, D = x.shape
    T = Bc * Sc
    x_flat = x.reshape(T, D)
    logits = x_flat @ Wr
    probs = jax.nn.softmax(logits, axis=-1)
    topk_scores, topk_experts = jax.lax.top_k(probs, TOP_K)
    denom = jnp.clip(jnp.sum(topk_scores, axis=-1, keepdims=True), 1e-9, None)
    topk_scores = topk_scores / denom
    z_loss = jnp.mean(jax.scipy.special.logsumexp(logits, axis=-1) ** 2) * Z_COEF
    importance = probs.sum(axis=0)
    top1 = topk_experts[:, 0]
    load = jnp.bincount(top1, length=E).astype(jnp.float32)
    importance = importance / jnp.clip(importance.sum(), 1e-9, None)
    load = load / jnp.clip(load.sum(), 1e-9, None)
    lb_loss = jnp.sum(importance * load) * (E ** 2) * LB_COEF
    cap = max(int(CAP_FACTOR * (T * TOP_K / E)), MIN_CAP)
    y_flat = jnp.zeros_like(x_flat)
    y_fb_all = _gelu(x_flat @ fb_w1 + fb_b1) @ fb_w2 + fb_b2
    tok_ids = jnp.arange(T, dtype=jnp.int32)
    slot_ids = jnp.arange(cap, dtype=jnp.int32)
    fallback_mask0 = jnp.zeros((T,), dtype=bool)

    def body(carry, inp):
        y_fl, fmask = carry
        W1e, b1e, W2e, b2e, e = inp
        mask_e = (topk_experts == e)
        has = mask_e.any(axis=1)
        sel_k = jnp.argmax(mask_e, axis=1)
        kept = has & (~fmask)
        rank = jnp.cumsum(kept.astype(jnp.int32)) - kept.astype(jnp.int32)
        overflow = kept & (rank >= cap)
        process = kept & (rank < cap)
        y_fl = jnp.where(overflow[:, None], y_fb_all, y_fl)
        fmask = fmask | overflow
        n = jnp.sum(process.astype(jnp.int32))
        scatter_idx = jnp.where(process, rank, cap)
        buf = jnp.zeros((cap + 1,), dtype=jnp.int32).at[scatter_idx].set(tok_ids)
        ti = buf[:cap]
        valid = slot_ids < n
        x_e = x_flat[ti]
        y_e = _gelu(x_e @ W1e + b1e) @ W2e + b2e
        ki = sel_k[ti]
        w_e = topk_scores[ti, ki][:, None]
        contrib = jnp.where(valid[:, None], y_e * w_e, jnp.zeros_like(y_e))
        y_fl = y_fl.at[ti].add(contrib)
        return (y_fl, fmask), None

    (y_flat, _), _ = jax.lax.scan(
        body,
        (y_flat, fallback_mask0),
        (W1, b1, W2, b2, jnp.arange(E, dtype=topk_experts.dtype)),
    )
    y = y_flat.reshape(Bc, Sc, D)
    return (y, z_loss, lb_loss)

if __name__ == "__main__":
    import jax
    _d = setup_inputs()
    print(jax.jit(kernel)(*tuple(_d.values())))

</pallas_src>

<mosaic_0001>
module attributes {stable_mosaic.version = 14 : i64} {
  func.func @_router_kernel(%arg0: i32, %arg1: memref<512x1024xf32, #tpu.memory_space<vmem>>, %arg2: memref<1024x64xf32, #tpu.memory_space<vmem>>, %arg3: memref<512xi32, #tpu.memory_space<vmem>>, %arg4: memref<512xi32, #tpu.memory_space<vmem>>, %arg5: memref<512xf32, #tpu.memory_space<vmem>>, %arg6: memref<512xf32, #tpu.memory_space<vmem>>, %arg7: memref<512xi32, #tpu.memory_space<vmem>>, %arg8: memref<512xi32, #tpu.memory_space<vmem>>, %arg9: memref<1x64xf32, #tpu.memory_space<vmem>>, %arg10: memref<1x64xf32, #tpu.memory_space<vmem>>, %arg11: memref<1x64xf32, #tpu.memory_space<vmem>>, %arg12: memref<1x1xf32, #tpu.memory_space<vmem>>, %arg13: memref<1x64xf32, #tpu.memory_space<vmem>>) attributes {dimension_semantics = [#tpu.dimension_semantics<arbitrary>], iteration_bounds = array<i64: 64>, scalar_prefetch = 0 : i64, scratch_operands = 1 : i64, tpu.core_type = #tpu.core_type<tc>, window_params = [{transform_indices = @transform_0, window_bounds = array<i64: 512, 1024>}, {pipeline_mode = #tpu.pipeline_mode<synchronous>, transform_indices = @transform_1, window_bounds = array<i64: 1024, 64>}, {transform_indices = @transform_2, window_bounds = array<i64: 512>}, {transform_indices = @transform_3, window_bounds = array<i64: 512>}, {transform_indices = @transform_4, window_bounds = array<i64: 512>}, {transform_indices = @transform_5, window_bounds = array<i64: 512>}, {transform_indices = @transform_6, window_bounds = array<i64: 512>}, {transform_indices = @transform_7, window_bounds = array<i64: 512>}, {pipeline_mode = #tpu.pipeline_mode<synchronous>, transform_indices = @transform_8, window_bounds = array<i64: 1, 64>}, {pipeline_mode = #tpu.pipeline_mode<synchronous>, transform_indices = @transform_9, window_bounds = array<i64: 1, 64>}, {pipeline_mode = #tpu.pipeline_mode<synchronous>, transform_indices = @transform_10, window_bounds = array<i64: 1, 64>}, {pipeline_mode = #tpu.pipeline_mode<synchronous>, transform_indices = @transform_11, window_bounds = array<i64: 1, 1>}]} {
    %get3A = arith.constant 0 : index
    %get3A_0 = arith.constant 0 : index
    %get3A_1 = vector.load %arg1[%get3A, %get3A_0] : memref<512x1024xf32, #tpu.memory_space<vmem>>, vector<512x1024xf32>
    %get3A_2 = arith.constant 0 : index
    %get3A_3 = arith.constant 0 : index
    %get3A_4 = vector.load %arg2[%get3A_2, %get3A_3] : memref<1024x64xf32, #tpu.memory_space<vmem>>, vector<1024x64xf32>
    %dot_general3A = arith.constant dense<0.000000e+00> : vector<512x64xf32>
    %dot_general3A_5 = tpu.matmul %get3A_1, %get3A_4, %dot_general3A {dimension_numbers = #tpu.dot_dimension_numbers<[1], [0], [0], [1], [0, 0, 1, 1], [], []>, transpose_lhs_hint = false} : vector<512x1024xf32>, vector<1024x64xf32>, vector<512x64xf32> -> vector<512x64xf32>
    %reduce_max3A = arith.constant dense<0xFF800000> : vector<512xf32>
    %reduce_max3A_6 = vector.multi_reduction <maximumf>, %dot_general3A_5, %reduce_max3A [1] : vector<512x64xf32> to vector<512xf32>
    %broadcast_in_dim3A = vector.shape_cast %reduce_max3A_6 : vector<512xf32> to vector<512x1xf32>
    %sub3A = vector.broadcast %broadcast_in_dim3A : vector<512x1xf32> to vector<512x64xf32>
    %sub3A_7 = arith.subf %dot_general3A_5, %sub3A : vector<512x64xf32>
    %exp3A = math.exp %sub3A_7 : vector<512x64xf32>
    %reduce_sum3A = arith.constant dense<0.000000e+00> : vector<512xf32>
    %reduce_sum3A_8 = vector.multi_reduction <add>, %exp3A, %reduce_sum3A [1] : vector<512x64xf32> to vector<512xf32>
    %broadcast_in_dim3A_9 = vector.shape_cast %reduce_sum3A_8 : vector<512xf32> to vector<512x1xf32>
    %div3A = vector.broadcast %broadcast_in_dim3A_9 : vector<512x1xf32> to vector<512x64xf32>
    %div3A_10 = arith.divf %exp3A, %div3A : vector<512x64xf32>
    %squeeze3A = vector.shape_cast %broadcast_in_dim3A_9 : vector<512x1xf32> to vector<512xf32>
    %log3A = math.log %squeeze3A : vector<512xf32>
    %squeeze3A_11 = vector.shape_cast %broadcast_in_dim3A : vector<512x1xf32> to vector<512xf32>
    %add3A = arith.addf %log3A, %squeeze3A_11 : vector<512xf32>
    %iota3A = tpu.iota {dimensions = array<i32: 1>} : vector<512x64xi32>
    %reduce_max3A_12 = arith.constant dense<0xFF800000> : vector<512xf32>
    %reduce_max3A_13 = vector.multi_reduction <maximumf>, %div3A_10, %reduce_max3A_12 [1] : vector<512x64xf32> to vector<512xf32>
    %broadcast_in_dim3A_14 = vector.shape_cast %reduce_max3A_13 : vector<512xf32> to vector<512x1xf32>
    %eq3A = vector.broadcast %broadcast_in_dim3A_14 : vector<512x1xf32> to vector<512x64xf32>
    %eq3A_15 = arith.cmpf oeq, %div3A_10, %eq3A : vector<512x64xf32>
    %jit3A = arith.constant 64 : i32
    %broadcast_in_dim3A_16 = vector.broadcast %jit3A : i32 to vector<512x64xi32>
    %select_n3A = arith.select %eq3A_15, %iota3A, %broadcast_in_dim3A_16 : vector<512x64xi1>, vector<512x64xi32>
    %reduce_min3A = arith.constant dense<2147483647> : vector<512xi32>
    %reduce_min3A_17 = vector.multi_reduction <minsi>, %select_n3A, %reduce_min3A [1] : vector<512x64xi32> to vector<512xi32>
    %broadcast_in_dim3A_18 = vector.shape_cast %reduce_min3A_17 : vector<512xi32> to vector<512x1xi32>
    %eq3A_19 = vector.broadcast %broadcast_in_dim3A_18 : vector<512x1xi32> to vector<512x64xi32>
    %eq3A_20 = arith.cmpi eq, %iota3A, %eq3A_19 : vector<512x64xi32>
    %jit3A_21 = arith.constant -1.000000e+00 : f32
    %broadcast_in_dim3A_22 = vector.broadcast %jit3A_21 : f32 to vector<512x64xf32>
    %select_n3A_23 = arith.select %eq3A_20, %broadcast_in_dim3A_22, %div3A_10 : vector<512x64xi1>, vector<512x64xf32>
    %reduce_max3A_24 = arith.constant dense<0xFF800000> : vector<512xf32>
    %reduce_max3A_25 = vector.multi_reduction <maximumf>, %select_n3A_23, %reduce_max3A_24 [1] : vector<512x64xf32> to vector<512xf32>
    %broadcast_in_dim3A_26 = vector.shape_cast %reduce_max3A_25 : vector<512xf32> to vector<512x1xf32>
    %eq3A_27 = vector.broadcast %broadcast_in_dim3A_26 : vector<512x1xf32> to vector<512x64xf32>
    %eq3A_28 = arith.cmpf oeq, %select_n3A_23, %eq3A_27 : vector<512x64xf32>
    %jit3A_29 = arith.constant 64 : i32
    %broadcast_in_dim3A_30 = vector.broadcast %jit3A_29 : i32 to vector<512x64xi32>
    %select_n3A_31 = arith.select %eq3A_28, %iota3A, %broadcast_in_dim3A_30 : vector<512x64xi1>, vector<512x64xi32>
    %reduce_min3A_32 = arith.constant dense<2147483647> : vector<512xi32>
    %reduce_min3A_33 = vector.multi_reduction <minsi>, %select_n3A_31, %reduce_min3A_32 [1] : vector<512x64xi32> to vector<512xi32>
    %add3A_34 = arith.addf %reduce_max3A_13, %reduce_max3A_25 : vector<512xf32>
    %jit3A_35 = arith.constant 9.99999971E-10 : f32
    %max3A = vector.broadcast %jit3A_35 : f32 to vector<512xf32>
    %max3A_36 = arith.maximumf %max3A, %add3A_34 : vector<512xf32>
    %swap3A = arith.constant 0 : index
    %swap3A_37 = vector.load %arg3[%swap3A] : memref<512xi32, #tpu.memory_space<vmem>>, vector<512xi32>
    tpu.vector_store %arg3[%swap3A], %reduce_min3A_17 {strides = array<i32>} : memref<512xi32, #tpu.memory_space<vmem>>, vector<512xi32>,
    %swap3A_38 = arith.constant 0 : index
    %swap3A_39 = vector.load %arg4[%swap3A_38] : memref<512xi32, #tpu.memory_space<vmem>>, vector<512xi32>
    tpu.vector_store %arg4[%swap3A_38], %reduce_min3A_33 {strides = array<i32>} : memref<512xi32, #tpu.memory_space<vmem>>, vector<512xi32>,
    %div3A_40 = arith.divf %reduce_max3A_13, %max3A_36 : vector<512xf32>
    %swap3A_41 = arith.constant 0 : index
    %swap3A_42 = vector.load %arg5[%swap3A_41] : memref<512xf32, #tpu.memory_space<vmem>>, vector<512xf32>
    tpu.vector_store %arg5[%swap3A_41], %div3A_40 {strides = array<i32>} : memref<512xf32, #tpu.memory_space<vmem>>, vector<512xf32>,
    %div3A_43 = arith.divf %reduce_max3A_25, %max3A_36 : vector<512xf32>
    %swap3A_44 = arith.constant 0 : index
    %swap3A_45 = vector.load %arg6[%swap3A_44] : memref<512xf32, #tpu.memory_space<vmem>>, vector<512xf32>
    tpu.vector_store %arg6[%swap3A_44], %div3A_43 {strides = array<i32>} : memref<512xf32, #tpu.memory_space<vmem>>, vector<512xf32>,
    %broadcast_in_dim3A_46 = vector.shape_cast %reduce_min3A_17 : vector<512xi32> to vector<512x1xi32>
    %eq3A_47 = vector.broadcast %broadcast_in_dim3A_46 : vector<512x1xi32> to vector<512x64xi32>
    %eq3A_48 = arith.cmpi eq, %iota3A, %eq3A_47 : vector<512x64xi32>
    %convert_element_type3A = arith.extui %eq3A_48 : vector<512x64xi1> to vector<512x64xi32>
    %convert_element_type3A_49 = arith.sitofp %convert_element_type3A : vector<512x64xi32> to vector<512x64xf32>
    %broadcast_in_dim3A_50 = vector.shape_cast %reduce_min3A_33 : vector<512xi32> to vector<512x1xi32>
    %eq3A_51 = vector.broadcast %broadcast_in_dim3A_50 : vector<512x1xi32> to vector<512x64xi32>
    %eq3A_52 = arith.cmpi eq, %iota3A, %eq3A_51 : vector<512x64xi32>
    %convert_element_type3A_53 = arith.extui %eq3A_52 : vector<512x64xi1> to vector<512x64xi32>
    %convert_element_type3A_54 = arith.sitofp %convert_element_type3A_53 : vector<512x64xi32> to vector<512x64xf32>
    %add3A_55 = arith.addf %convert_element_type3A_49, %convert_element_type3A_54 : vector<512x64xf32>
    %iota3A_56 = tpu.iota {dimensions = array<i32: 0>} : vector<512x512xi32>
    %iota3A_57 = tpu.iota {dimensions = array<i32: 1>} : vector<512x512xi32>
    %gt3A = arith.cmpi sgt, %iota3A_56, %iota3A_57 : vector<512x512xi32>
    %convert_element_type3A_58 = arith.extui %gt3A : vector<512x512xi1> to vector<512x512xi32>
    %convert_element_type3A_59 = arith.sitofp %convert_element_type3A_58 : vector<512x512xi32> to vector<512x512xf32>
    %dot_general3A_60 = arith.constant dense<0.000000e+00> : vector<512x64xf32>
    %dot_general3A_61 = tpu.matmul %convert_element_type3A_59, %add3A_55, %dot_general3A_60 {dimension_numbers = #tpu.dot_dimension_numbers<[1], [0], [0], [1], [0, 0, 1, 1], [], []>, transpose_lhs_hint = false} : vector<512x512xf32>, vector<512x64xf32>, vector<512x64xf32> -> vector<512x64xf32>
    %eq3A_62 = arith.constant 0 : i32
    %eq3A_63 = arith.cmpi eq, %arg0, %eq3A_62 : i32
    %convert_element_type3A_64 = arith.extui %eq3A_63 : i1 to i32
    %cond3A = arith.constant 0 : i32
    %cond3A_65 = arith.cmpi ne, %convert_element_type3A_64, %cond3A : i32
    scf.if %cond3A_65 {
      %broadcast_in_dim3A_125 = arith.constant 0.000000e+00 : f32
      %broadcast_in_dim3A_126 = vector.broadcast %broadcast_in_dim3A_125 : f32 to vector<1x64xf32>
      %swap3A_127 = arith.constant 0 : index
      %swap3A_128 = arith.constant 0 : index
      %swap3A_129 = vector.load %arg13[%swap3A_127, %swap3A_128] : memref<1x64xf32, #tpu.memory_space<vmem>>, vector<1x64xf32>
      tpu.vector_store %arg13[%swap3A_127, %swap3A_128], %broadcast_in_dim3A_126 {strides = array<i32>} : memref<1x64xf32, #tpu.memory_space<vmem>>, vector<1x64xf32>,
      %broadcast_in_dim3A_130 = arith.constant 0.000000e+00 : f32
      %broadcast_in_dim3A_131 = vector.broadcast %broadcast_in_dim3A_130 : f32 to vector<1x64xf32>
      %swap3A_132 = arith.constant 0 : index
      %swap3A_133 = arith.constant 0 : index
      %swap3A_134 = vector.load %arg10[%swap3A_132, %swap3A_133] : memref<1x64xf32, #tpu.memory_space<vmem>>, vector<1x64xf32>
      tpu.vector_store %arg10[%swap3A_132, %swap3A_133], %broadcast_in_dim3A_131 {strides = array<i32>} : memref<1x64xf32, #tpu.memory_space<vmem>>, vector<1x64xf32>,
      %broadcast_in_dim3A_135 = arith.constant 0.000000e+00 : f32
      %broadcast_in_dim3A_136 = vector.broadcast %broadcast_in_dim3A_135 : f32 to vector<1x64xf32>
      %swap3A_137 = arith.constant 0 : index
      %swap3A_138 = arith.constant 0 : index
      %swap3A_139 = vector.load %arg11[%swap3A_137, %swap3A_138] : memref<1x64xf32, #tpu.memory_space<vmem>>, vector<1x64xf32>
      tpu.vector_store %arg11[%swap3A_137, %swap3A_138], %broadcast_in_dim3A_136 {strides = array<i32>} : memref<1x64xf32, #tpu.memory_space<vmem>>, vector<1x64xf32>,
      %broadcast_in_dim3A_140 = arith.constant 0.000000e+00 : f32
      %broadcast_in_dim3A_141 = vector.broadcast %broadcast_in_dim3A_140 : f32 to vector<1x1xf32>
      %swap3A_142 = arith.constant 0 : index
      %swap3A_143 = arith.constant 0 : index
      %swap3A_144 = vector.load %arg12[%swap3A_142, %swap3A_143] : memref<1x1xf32, #tpu.memory_space<vmem>>, vector<1x1xf32>
      tpu.vector_store %arg12[%swap3A_142, %swap3A_143], %broadcast_in_dim3A_141 {strides = array<i32>} : memref<1x1xf32, #tpu.memory_space<vmem>>, vector<1x1xf32>,
    } else {
    }
    %get3A_66 = arith.constant 0 : index
    %get3A_67 = arith.constant 0 : index
    %get3A_68 = vector.load %arg13[%get3A_66, %get3A_67] : memref<1x64xf32, #tpu.memory_space<vmem>>, vector<1x64xf32>
    %add3A_69 = vector.broadcast %get3A_68 : vector<1x64xf32> to vector<512x64xf32>
    %add3A_70 = arith.addf %dot_general3A_61, %add3A_69 : vector<512x64xf32>
    %mul3A = arith.mulf %add3A_70, %convert_element_type3A_49 : vector<512x64xf32>
    %reduce_sum3A_71 = arith.constant dense<0.000000e+00> : vector<512xf32>
    %reduce_sum3A_72 = vector.multi_reduction <add>, %mul3A, %reduce_sum3A_71 [1] : vector<512x64xf32> to vector<512xf32>
    %convert_element_type3A_73 = arith.fptosi %reduce_sum3A_72 : vector<512xf32> to vector<512xi32>
    %swap3A_74 = arith.constant 0 : index
    %swap3A_75 = vector.load %arg7[%swap3A_74] : memref<512xi32, #tpu.memory_space<vmem>>, vector<512xi32>
    tpu.vector_store %arg7[%swap3A_74], %convert_element_type3A_73 {strides = array<i32>} : memref<512xi32, #tpu.memory_space<vmem>>, vector<512xi32>,
    %mul3A_76 = arith.mulf %add3A_70, %convert_element_type3A_54 : vector<512x64xf32>
    %reduce_sum3A_77 = arith.constant dense<0.000000e+00> : vector<512xf32>
    %reduce_sum3A_78 = vector.multi_reduction <add>, %mul3A_76, %reduce_sum3A_77 [1] : vector<512x64xf32> to vector<512xf32>
    %convert_element_type3A_79 = arith.fptosi %reduce_sum3A_78 : vector<512xf32> to vector<512xi32>
    %swap3A_80 = arith.constant 0 : index
    %swap3A_81 = vector.load %arg8[%swap3A_80] : memref<512xi32, #tpu.memory_space<vmem>>, vector<512xi32>
    tpu.vector_store %arg8[%swap3A_80], %convert_element_type3A_79 {strides = array<i32>} : memref<512xi32, #tpu.memory_space<vmem>>, vector<512xi32>,
    %reduce_sum3A_82 = arith.constant dense<0.000000e+00> : vector<64xf32>
    %reduce_sum3A_83 = vector.multi_reduction <add>, %add3A_55, %reduce_sum3A_82 [0] : vector<512x64xf32> to vector<64xf32>
    %broadcast_in_dim3A_84 = vector.shape_cast %reduce_sum3A_83 : vector<64xf32> to vector<1x64xf32>
    %add3A_85 = arith.addf %get3A_68, %broadcast_in_dim3A_84 : vector<1x64xf32>
    %swap3A_86 = arith.constant 0 : index
    %swap3A_87 = arith.constant 0 : index
    %swap3A_88 = vector.load %arg13[%swap3A_86, %swap3A_87] : memref<1x64xf32, #tpu.memory_space<vmem>>, vector<1x64xf32>
    tpu.vector_store %arg13[%swap3A_86, %swap3A_87], %add3A_85 {strides = array<i32>} : memref<1x64xf32, #tpu.memory_space<vmem>>, vector<1x64xf32>,
    %swap3A_89 = arith.constant 0 : index
    %swap3A_90 = arith.constant 0 : index
    %swap3A_91 = vector.load %arg9[%swap3A_89, %swap3A_90] : memref<1x64xf32, #tpu.memory_space<vmem>>, vector<1x64xf32>
    tpu.vector_store %arg9[%swap3A_89, %swap3A_90], %add3A_85 {strides = array<i32>} : memref<1x64xf32, #tpu.memory_space<vmem>>, vector<1x64xf32>,
    %get3A_92 = arith.constant 0 : index
    %get3A_93 = arith.constant 0 : index
    %get3A_94 = vector.load %arg10[%get3A_92, %get3A_93] : memref<1x64xf32, #tpu.memory_space<vmem>>, vector<1x64xf32>
    %reduce_sum3A_95 = arith.constant dense<0.000000e+00> : vector<64xf32>
    %reduce_sum3A_96 = vector.multi_reduction <add>, %div3A_10, %reduce_sum3A_95 [0] : vector<512x64xf32> to vector<64xf32>
    %broadcast_in_dim3A_97 = vector.shape_cast %reduce_sum3A_96 : vector<64xf32> to vector<1x64xf32>
    %add3A_98 = arith.addf %get3A_94, %broadcast_in_dim3A_97 : vector<1x64xf32>
    %swap3A_99 = arith.constant 0 : index
    %swap3A_100 = arith.constant 0 : index
    %swap3A_101 = vector.load %arg10[%swap3A_99, %swap3A_100] : memref<1x64xf32, #tpu.memory_space<vmem>>, vector<1x64xf32>
    tpu.vector_store %arg10[%swap3A_99, %swap3A_100], %add3A_98 {strides = array<i32>} : memref<1x64xf32, #tpu.memory_space<vmem>>, vector<1x64xf32>,
    %get3A_102 = arith.constant 0 : index
    %get3A_103 = arith.constant 0 : index
    %get3A_104 = vector.load %arg11[%get3A_102, %get3A_103] : memref<1x64xf32, #tpu.memory_space<vmem>>, vector<1x64xf32>
    %reduce_sum3A_105 = arith.constant dense<0.000000e+00> : vector<64xf32>
    %reduce_sum3A_106 = vector.multi_reduction <add>, %convert_element_type3A_49, %reduce_sum3A_105 [0] : vector<512x64xf32> to vector<64xf32>
    %broadcast_in_dim3A_107 = vector.shape_cast %reduce_sum3A_106 : vector<64xf32> to vector<1x64xf32>
    %add3A_108 = arith.addf %get3A_104, %broadcast_in_dim3A_107 : vector<1x64xf32>
    %swap3A_109 = arith.constant 0 : index
    %swap3A_110 = arith.constant 0 : index
    %swap3A_111 = vector.load %arg11[%swap3A_109, %swap3A_110] : memref<1x64xf32, #tpu.memory_space<vmem>>, vector<1x64xf32>
    tpu.vector_store %arg11[%swap3A_109, %swap3A_110], %add3A_108 {strides = array<i32>} : memref<1x64xf32, #tpu.memory_space<vmem>>, vector<1x64xf32>,
    %get3A_112 = arith.constant 0 : index
    %get3A_113 = arith.constant 0 : index
    %get3A_114 = vector.load %arg12[%get3A_112, %get3A_113] : memref<1x1xf32, #tpu.memory_space<vmem>>, vector<1x1xf32>
    %mul3A_115 = arith.mulf %add3A, %add3A : vector<512xf32>
    %reduce_sum3A_116 = vector.shape_cast %mul3A_115 : vector<512xf32> to vector<1x512xf32>
    %reduce_sum3A_117 = arith.constant dense<0.000000e+00> : vector<1xf32>
    %reduce_sum3A_118 = vector.multi_reduction <add>, %reduce_sum3A_116, %reduce_sum3A_117 [1] : vector<1x512xf32> to vector<1xf32>
    %reduce_sum3A_119 = vector.shape_cast %reduce_sum3A_118 : vector<1xf32> to vector<1x1xf32>
    %reduce_sum3A_120 = vector.extract %reduce_sum3A_119[0, 0] : f32 from vector<1x1xf32>
    %reshape3A = vector.broadcast %reduce_sum3A_120 : f32 to vector<1x1xf32>
    %add3A_121 = arith.addf %get3A_114, %reshape3A : vector<1x1xf32>
    %swap3A_122 = arith.constant 0 : index
    %swap3A_123 = arith.constant 0 : index
    %swap3A_124 = vector.load %arg12[%swap3A_122, %swap3A_123] : memref<1x1xf32, #tpu.memory_space<vmem>>, vector<1x1xf32>
    tpu.vector_store %arg12[%swap3A_122, %swap3A_123], %add3A_121 {strides = array<i32>} : memref<1x1xf32, #tpu.memory_space<vmem>>, vector<1x1xf32>,
    return
  }
  func.func @transform_0(%arg0: i32) -> (i32, i32) {
    %c0_i32 = arith.constant 0 : i32
    %c0_i32_0 = arith.constant 0 : i32
    return %arg0, %c0_i32 : i32, i32
  }
  func.func @transform_1(%arg0: i32) -> (i32, i32) {
    %c0_i32 = arith.constant 0 : i32
    %c0_i32_0 = arith.constant 0 : i32
    %c0_i32_1 = arith.constant 0 : i32
    return %c0_i32, %c0_i32_0 : i32, i32
  }
  func.func @transform_2(%arg0: i32) -> i32 {
    %c0_i32 = arith.constant 0 : i32
    return %arg0 : i32
  }
  func.func @transform_3(%arg0: i32) -> i32 {
    %c0_i32 = arith.constant 0 : i32
    return %arg0 : i32
  }
  func.func @transform_4(%arg0: i32) -> i32 {
    %c0_i32 = arith.constant 0 : i32
    return %arg0 : i32
  }
  func.func @transform_5(%arg0: i32) -> i32 {
    %c0_i32 = arith.constant 0 : i32
    return %arg0 : i32
  }
  func.func @transform_6(%arg0: i32) -> i32 {
    %c0_i32 = arith.constant 0 : i32
    return %arg0 : i32
  }
  func.func @transform_7(%arg0: i32) -> i32 {
    %c0_i32 = arith.constant 0 : i32
    return %arg0 : i32
  }
  func.func @transform_8(%arg0: i32) -> (i32, i32) {
    %c0_i32 = arith.constant 0 : i32
    %c0_i32_0 = arith.constant 0 : i32
    %c0_i32_1 = arith.constant 0 : i32
    return %c0_i32, %c0_i32_0 : i32, i32
  }
  func.func @transform_9(%arg0: i32) -> (i32, i32) {
    %c0_i32 = arith.constant 0 : i32
    %c0_i32_0 = arith.constant 0 : i32
    %c0_i32_1 = arith.constant 0 : i32
    return %c0_i32, %c0_i32_0 : i32, i32
  }
  func.func @transform_10(%arg0: i32) -> (i32, i32) {
    %c0_i32 = arith.constant 0 : i32
    %c0_i32_0 = arith.constant 0 : i32
    %c0_i32_1 = arith.constant 0 : i32
    return %c0_i32, %c0_i32_0 : i32, i32
  }
  func.func @transform_11(%arg0: i32) -> (i32, i32) {
    %c0_i32 = arith.constant 0 : i32
    %c0_i32_0 = arith.constant 0 : i32
    %c0_i32_1 = arith.constant 0 : i32
    return %c0_i32, %c0_i32_0 : i32, i32
  }
}

module attributes {stable_mosaic.version = 14 : i64} {
  func.func @_expert_ffn_kernel(%arg0: i32, %arg1: i32, %arg2: memref<1x1x256xf32, #tpu.memory_space<vmem>>, %arg3: memref<256x1024xf32, #tpu.memory_space<vmem>>, %arg4: memref<1x1024x512xf32, #tpu.memory_space<vmem>>, %arg5: memref<1x1x512xf32, #tpu.memory_space<vmem>>, %arg6: memref<1x512x1024xf32, #tpu.memory_space<vmem>>, %arg7: memref<1x1x1024xf32, #tpu.memory_space<vmem>>, %arg8: memref<256x1024xf32, #tpu.memory_space<vmem>>) attributes {dimension_semantics = [#tpu.dimension_semantics<arbitrary>, #tpu.dimension_semantics<arbitrary>], iteration_bounds = array<i64: 64, 5>, scalar_prefetch = 0 : i64, scratch_operands = 0 : i64, tpu.core_type = #tpu.core_type<tc>, window_params = [{transform_indices = @transform_0, window_bounds = array<i64: 1, 1, 256>}, {transform_indices = @transform_1, window_bounds = array<i64: 256, 1024>}, {transform_indices = @transform_2, window_bounds = array<i64: 1, 1024, 512>}, {transform_indices = @transform_3, window_bounds = array<i64: 1, 1, 512>}, {transform_indices = @transform_4, window_bounds = array<i64: 1, 512, 1024>}, {transform_indices = @transform_5, window_bounds = array<i64: 1, 1, 1024>}, {transform_indices = @transform_6, window_bounds = array<i64: 256, 1024>}]} {
    %get3A = arith.constant 0 : index
    %get3A_0 = arith.constant 0 : index
    %get3A_1 = vector.load %arg3[%get3A, %get3A_0] : memref<256x1024xf32, #tpu.memory_space<vmem>>, vector<256x1024xf32>
    %get3A_2 = arith.constant 0 : index
    %get3A_3 = arith.constant 0 : index
    %get3A_4 = arith.constant 0 : index
    %get3A_5 = vector.load %arg4[%get3A_2, %get3A_3, %get3A_4] : memref<1x1024x512xf32, #tpu.memory_space<vmem>>, vector<1x1024x512xf32>
    %get3A_6 = vector.shape_cast %get3A_5 : vector<1x1024x512xf32> to vector<1024x512xf32>
    %dot_general3A = arith.constant dense<0.000000e+00> : vector<256x512xf32>
    %dot_general3A_7 = tpu.matmul %get3A_1, %get3A_6, %dot_general3A {dimension_numbers = #tpu.dot_dimension_numbers<[1], [0], [0], [1], [0, 0, 1, 1], [], []>, transpose_lhs_hint = false} : vector<256x1024xf32>, vector<1024x512xf32>, vector<256x512xf32> -> vector<256x512xf32>
    %get3A_8 = arith.constant 0 : index
    %get3A_9 = arith.constant 0 : index
    %get3A_10 = arith.constant 0 : index
    %get3A_11 = vector.load %arg5[%get3A_8, %get3A_9, %get3A_10] : memref<1x1x512xf32, #tpu.memory_space<vmem>>, vector<1x1x512xf32>
    %get3A_12 = vector.shape_cast %get3A_11 : vector<1x1x512xf32> to vector<1x512xf32>
    %add3A = vector.broadcast %get3A_12 : vector<1x512xf32> to vector<256x512xf32>
    %add3A_13 = arith.addf %dot_general3A_7, %add3A : vector<256x512xf32>
    %mul3A = arith.constant 0.707106769 : f32
    %mul3A_14 = vector.broadcast %mul3A : f32 to vector<256x512xf32>
    %mul3A_15 = arith.mulf %add3A_13, %mul3A_14 : vector<256x512xf32>
    %abs3A = math.absf %mul3A_15 : vector<256x512xf32>
    %mul3A_16 = arith.constant 0.327591091 : f32
    %mul3A_17 = vector.broadcast %mul3A_16 : f32 to vector<256x512xf32>
    %mul3A_18 = arith.mulf %mul3A_17, %abs3A : vector<256x512xf32>
    %add3A_19 = arith.constant 1.000000e+00 : f32
    %add3A_20 = vector.broadcast %add3A_19 : f32 to vector<256x512xf32>
    %add3A_21 = arith.addf %add3A_20, %mul3A_18 : vector<256x512xf32>
    %div3A = arith.constant 1.000000e+00 : f32
    %div3A_22 = vector.broadcast %div3A : f32 to vector<256x512xf32>
    %div3A_23 = arith.divf %div3A_22, %add3A_21 : vector<256x512xf32>
    %mul3A_24 = arith.constant 1.06140542 : f32
    %mul3A_25 = vector.broadcast %mul3A_24 : f32 to vector<256x512xf32>
    %mul3A_26 = arith.mulf %div3A_23, %mul3A_25 : vector<256x512xf32>
    %add3A_27 = arith.constant -1.45315206 : f32
    %add3A_28 = vector.broadcast %add3A_27 : f32 to vector<256x512xf32>
    %add3A_29 = arith.addf %add3A_28, %mul3A_26 : vector<256x512xf32>
    %mul3A_30 = arith.mulf %div3A_23, %add3A_29 : vector<256x512xf32>
    %add3A_31 = arith.constant 1.42141378 : f32
    %add3A_32 = vector.broadcast %add3A_31 : f32 to vector<256x512xf32>
    %add3A_33 = arith.addf %add3A_32, %mul3A_30 : vector<256x512xf32>
    %mul3A_34 = arith.mulf %div3A_23, %add3A_33 : vector<256x512xf32>
    %add3A_35 = arith.constant -0.284496725 : f32
    %add3A_36 = vector.broadcast %add3A_35 : f32 to vector<256x512xf32>
    %add3A_37 = arith.addf %add3A_36, %mul3A_34 : vector<256x512xf32>
    %mul3A_38 = arith.mulf %div3A_23, %add3A_37 : vector<256x512xf32>
    %add3A_39 = arith.constant 0.254829586 : f32
    %add3A_40 = vector.broadcast %add3A_39 : f32 to vector<256x512xf32>
    %add3A_41 = arith.addf %add3A_40, %mul3A_38 : vector<256x512xf32>
    %mul3A_42 = arith.mulf %div3A_23, %add3A_41 : vector<256x512xf32>
    %neg3A = arith.constant 0.000000e+00 : f32
    %neg3A_43 = vector.broadcast %neg3A : f32 to vector<256x512xf32>
    %neg3A_44 = arith.subf %neg3A_43, %abs3A : vector<256x512xf32>
    %mul3A_45 = arith.mulf %neg3A_44, %abs3A : vector<256x512xf32>
    %exp3A = math.exp %mul3A_45 : vector<256x512xf32>
    %mul3A_46 = arith.mulf %mul3A_42, %exp3A : vector<256x512xf32>
    %sub3A = arith.constant 1.000000e+00 : f32
    %sub3A_47 = vector.broadcast %sub3A : f32 to vector<256x512xf32>
    %sub3A_48 = arith.subf %sub3A_47, %mul3A_46 : vector<256x512xf32>
    %sign3A = tpu.bitcast %mul3A_15 : vector<256x512xf32> -> vector<256x512xi32>
    %sign3A_49 = arith.constant -2147483648 : i32
    %sign3A_50 = vector.broadcast %sign3A_49 : i32 to vector<256x512xi32>
    %sign3A_51 = arith.andi %sign3A, %sign3A_50 : vector<256x512xi32>
    %sign3A_52 = arith.constant 1065353216 : i32
    %sign3A_53 = vector.broadcast %sign3A_52 : i32 to vector<256x512xi32>
    %sign3A_54 = arith.ori %sign3A_53, %sign3A_51 : vector<256x512xi32>
    %sign3A_55 = tpu.bitcast %sign3A_54 : vector<256x512xi32> -> vector<256x512xf32>
    %sign3A_56 = math.absf %mul3A_15 : vector<256x512xf32>
    %sign3A_57 = arith.constant 0.000000e+00 : f32
    %sign3A_58 = vector.broadcast %sign3A_57 : f32 to vector<256x512xf32>
    %sign3A_59 = arith.cmpf ogt, %sign3A_56, %sign3A_58 : vector<256x512xf32>
    %sign3A_60 = arith.select %sign3A_59, %sign3A_55, %mul3A_15 : vector<256x512xi1>, vector<256x512xf32>
    %mul3A_61 = arith.mulf %sign3A_60, %sub3A_48 : vector<256x512xf32>
    %mul3A_62 = arith.constant 5.000000e-01 : f32
    %mul3A_63 = vector.broadcast %mul3A_62 : f32 to vector<256x512xf32>
    %mul3A_64 = arith.mulf %mul3A_63, %add3A_13 : vector<256x512xf32>
    %add3A_65 = arith.constant 1.000000e+00 : f32
    %add3A_66 = vector.broadcast %add3A_65 : f32 to vector<256x512xf32>
    %add3A_67 = arith.addf %add3A_66, %mul3A_61 : vector<256x512xf32>
    %mul3A_68 = arith.mulf %mul3A_64, %add3A_67 : vector<256x512xf32>
    %get3A_69 = arith.constant 0 : index
    %get3A_70 = arith.constant 0 : index
    %get3A_71 = arith.constant 0 : index
    %get3A_72 = vector.load %arg6[%get3A_69, %get3A_70, %get3A_71] : memref<1x512x1024xf32, #tpu.memory_space<vmem>>, vector<1x512x1024xf32>
    %get3A_73 = vector.shape_cast %get3A_72 : vector<1x512x1024xf32> to vector<512x1024xf32>
    %dot_general3A_74 = arith.constant dense<0.000000e+00> : vector<256x1024xf32>
    %dot_general3A_75 = tpu.matmul %mul3A_68, %get3A_73, %dot_general3A_74 {dimension_numbers = #tpu.dot_dimension_numbers<[1], [0], [0], [1], [0, 0, 1, 1], [], []>, transpose_lhs_hint = false} : vector<256x512xf32>, vector<512x1024xf32>, vector<256x1024xf32> -> vector<256x1024xf32>
    %get3A_76 = arith.constant 0 : index
    %get3A_77 = arith.constant 0 : index
    %get3A_78 = arith.constant 0 : index
    %get3A_79 = vector.load %arg7[%get3A_76, %get3A_77, %get3A_78] : memref<1x1x1024xf32, #tpu.memory_space<vmem>>, vector<1x1x1024xf32>
    %get3A_80 = vector.shape_cast %get3A_79 : vector<1x1x1024xf32> to vector<1x1024xf32>
    %add3A_81 = vector.broadcast %get3A_80 : vector<1x1024xf32> to vector<256x1024xf32>
    %add3A_82 = arith.addf %dot_general3A_75, %add3A_81 : vector<256x1024xf32>
    %get3A_83 = arith.constant 0 : index
    %get3A_84 = arith.constant 0 : index
    %get3A_85 = arith.constant 0 : index
    %get3A_86 = vector.load %arg2[%get3A_83, %get3A_84, %get3A_85] : memref<1x1x256xf32, #tpu.memory_space<vmem>>, vector<1x1x256xf32>
    %squeeze3A = vector.shape_cast %get3A_86 : vector<1x1x256xf32> to vector<256xf32>
    %broadcast_in_dim3A = vector.shape_cast %squeeze3A : vector<256xf32> to vector<256x1xf32>
    %mul3A_87 = vector.broadcast %broadcast_in_dim3A : vector<256x1xf32> to vector<256x1024xf32>
    %mul3A_88 = arith.mulf %add3A_82, %mul3A_87 : vector<256x1024xf32>
    %swap3A = arith.constant 0 : index
    %swap3A_89 = arith.constant 0 : index
    %swap3A_90 = vector.load %arg8[%swap3A, %swap3A_89] : memref<256x1024xf32, #tpu.memory_space<vmem>>, vector<256x1024xf32>
    tpu.vector_store %arg8[%swap3A, %swap3A_89], %mul3A_88 {strides = array<i32>} : memref<256x1024xf32, #tpu.memory_space<vmem>>, vector<256x1024xf32>,
    return
  }
  func.func @transform_0(%arg0: i32, %arg1: i32) -> (i32, i32, i32) {
    %c0_i32 = arith.constant 0 : i32
    %c0_i32_0 = arith.constant 0 : i32
    return %arg0, %c0_i32, %arg1 : i32, i32, i32
  }
  func.func @transform_1(%arg0: i32, %arg1: i32) -> (i32, i32) {
    %mul3A = arith.constant 5 : i32
    %mul3A_0 = arith.muli %arg0, %mul3A : i32
    %add3A = arith.addi %mul3A_0, %arg1 : i32
    %c0_i32 = arith.constant 0 : i32
    %c0_i32_1 = arith.constant 0 : i32
    return %add3A, %c0_i32 : i32, i32
  }
  func.func @transform_2(%arg0: i32, %arg1: i32) -> (i32, i32, i32) {
    %c0_i32 = arith.constant 0 : i32
    %c0_i32_0 = arith.constant 0 : i32
    %c0_i32_1 = arith.constant 0 : i32
    return %arg0, %c0_i32, %c0_i32_0 : i32, i32, i32
  }
  func.func @transform_3(%arg0: i32, %arg1: i32) -> (i32, i32, i32) {
    %c0_i32 = arith.constant 0 : i32
    %c0_i32_0 = arith.constant 0 : i32
    %c0_i32_1 = arith.constant 0 : i32
    return %arg0, %c0_i32, %c0_i32_0 : i32, i32, i32
  }
  func.func @transform_4(%arg0: i32, %arg1: i32) -> (i32, i32, i32) {
    %c0_i32 = arith.constant 0 : i32
    %c0_i32_0 = arith.constant 0 : i32
    %c0_i32_1 = arith.constant 0 : i32
    return %arg0, %c0_i32, %c0_i32_0 : i32, i32, i32
  }
  func.func @transform_5(%arg0: i32, %arg1: i32) -> (i32, i32, i32) {
    %c0_i32 = arith.constant 0 : i32
    %c0_i32_0 = arith.constant 0 : i32
    %c0_i32_1 = arith.constant 0 : i32
    return %arg0, %c0_i32, %c0_i32_0 : i32, i32, i32
  }
  func.func @transform_6(%arg0: i32, %arg1: i32) -> (i32, i32) {
    %mul3A = arith.constant 5 : i32
    %mul3A_0 = arith.muli %arg0, %mul3A : i32
    %add3A = arith.addi %mul3A_0, %arg1 : i32
    %c0_i32 = arith.constant 0 : i32
    %c0_i32_1 = arith.constant 0 : i32
    return %add3A, %c0_i32 : i32, i32
  }
}

module attributes {stable_mosaic.version = 14 : i64} {
  func.func @_fb_ffn_kernel(%arg0: i32, %arg1: memref<512x1024xf32, #tpu.memory_space<vmem>>, %arg2: memref<1024x512xf32, #tpu.memory_space<vmem>>, %arg3: memref<1x512xf32, #tpu.memory_space<vmem>>, %arg4: memref<512x1024xf32, #tpu.memory_space<vmem>>, %arg5: memref<1x1024xf32, #tpu.memory_space<vmem>>, %arg6: memref<512x1024xf32, #tpu.memory_space<vmem>>) attributes {dimension_semantics = [#tpu.dimension_semantics<arbitrary>], iteration_bounds = array<i64: 64>, scalar_prefetch = 0 : i64, scratch_operands = 0 : i64, tpu.core_type = #tpu.core_type<tc>, window_params = [{transform_indices = @transform_0, window_bounds = array<i64: 512, 1024>}, {pipeline_mode = #tpu.pipeline_mode<synchronous>, transform_indices = @transform_1, window_bounds = array<i64: 1024, 512>}, {pipeline_mode = #tpu.pipeline_mode<synchronous>, transform_indices = @transform_2, window_bounds = array<i64: 1, 512>}, {pipeline_mode = #tpu.pipeline_mode<synchronous>, transform_indices = @transform_3, window_bounds = array<i64: 512, 1024>}, {pipeline_mode = #tpu.pipeline_mode<synchronous>, transform_indices = @transform_4, window_bounds = array<i64: 1, 1024>}, {transform_indices = @transform_5, window_bounds = array<i64: 512, 1024>}]} {
    %get3A = arith.constant 0 : index
    %get3A_0 = arith.constant 0 : index
    %get3A_1 = vector.load %arg1[%get3A, %get3A_0] : memref<512x1024xf32, #tpu.memory_space<vmem>>, vector<512x1024xf32>
    %get3A_2 = arith.constant 0 : index
    %get3A_3 = arith.constant 0 : index
    %get3A_4 = vector.load %arg2[%get3A_2, %get3A_3] : memref<1024x512xf32, #tpu.memory_space<vmem>>, vector<1024x512xf32>
    %dot_general3A = arith.constant dense<0.000000e+00> : vector<512x512xf32>
    %dot_general3A_5 = tpu.matmul %get3A_1, %get3A_4, %dot_general3A {dimension_numbers = #tpu.dot_dimension_numbers<[1], [0], [0], [1], [0, 0, 1, 1], [], []>, transpose_lhs_hint = false} : vector<512x1024xf32>, vector<1024x512xf32>, vector<512x512xf32> -> vector<512x512xf32>
    %get3A_6 = arith.constant 0 : index
    %get3A_7 = arith.constant 0 : index
    %get3A_8 = vector.load %arg3[%get3A_6, %get3A_7] : memref<1x512xf32, #tpu.memory_space<vmem>>, vector<1x512xf32>
    %add3A = vector.broadcast %get3A_8 : vector<1x512xf32> to vector<512x512xf32>
    %add3A_9 = arith.addf %dot_general3A_5, %add3A : vector<512x512xf32>
    %mul3A = arith.constant 0.707106769 : f32
    %mul3A_10 = vector.broadcast %mul3A : f32 to vector<512x512xf32>
    %mul3A_11 = arith.mulf %add3A_9, %mul3A_10 : vector<512x512xf32>
    %abs3A = math.absf %mul3A_11 : vector<512x512xf32>
    %mul3A_12 = arith.constant 0.327591091 : f32
    %mul3A_13 = vector.broadcast %mul3A_12 : f32 to vector<512x512xf32>
    %mul3A_14 = arith.mulf %mul3A_13, %abs3A : vector<512x512xf32>
    %add3A_15 = arith.constant 1.000000e+00 : f32
    %add3A_16 = vector.broadcast %add3A_15 : f32 to vector<512x512xf32>
    %add3A_17 = arith.addf %add3A_16, %mul3A_14 : vector<512x512xf32>
    %div3A = arith.constant 1.000000e+00 : f32
    %div3A_18 = vector.broadcast %div3A : f32 to vector<512x512xf32>
    %div3A_19 = arith.divf %div3A_18, %add3A_17 : vector<512x512xf32>
    %mul3A_20 = arith.constant 1.06140542 : f32
    %mul3A_21 = vector.broadcast %mul3A_20 : f32 to vector<512x512xf32>
    %mul3A_22 = arith.mulf %div3A_19, %mul3A_21 : vector<512x512xf32>
    %add3A_23 = arith.constant -1.45315206 : f32
    %add3A_24 = vector.broadcast %add3A_23 : f32 to vector<512x512xf32>
    %add3A_25 = arith.addf %add3A_24, %mul3A_22 : vector<512x512xf32>
    %mul3A_26 = arith.mulf %div3A_19, %add3A_25 : vector<512x512xf32>
    %add3A_27 = arith.constant 1.42141378 : f32
    %add3A_28 = vector.broadcast %add3A_27 : f32 to vector<512x512xf32>
    %add3A_29 = arith.addf %add3A_28, %mul3A_26 : vector<512x512xf32>
    %mul3A_30 = arith.mulf %div3A_19, %add3A_29 : vector<512x512xf32>
    %add3A_31 = arith.constant -0.284496725 : f32
    %add3A_32 = vector.broadcast %add3A_31 : f32 to vector<512x512xf32>
    %add3A_33 = arith.addf %add3A_32, %mul3A_30 : vector<512x512xf32>
    %mul3A_34 = arith.mulf %div3A_19, %add3A_33 : vector<512x512xf32>
    %add3A_35 = arith.constant 0.254829586 : f32
    %add3A_36 = vector.broadcast %add3A_35 : f32 to vector<512x512xf32>
    %add3A_37 = arith.addf %add3A_36, %mul3A_34 : vector<512x512xf32>
    %mul3A_38 = arith.mulf %div3A_19, %add3A_37 : vector<512x512xf32>
    %neg3A = arith.constant 0.000000e+00 : f32
    %neg3A_39 = vector.broadcast %neg3A : f32 to vector<512x512xf32>
    %neg3A_40 = arith.subf %neg3A_39, %abs3A : vector<512x512xf32>
    %mul3A_41 = arith.mulf %neg3A_40, %abs3A : vector<512x512xf32>
    %exp3A = math.exp %mul3A_41 : vector<512x512xf32>
    %mul3A_42 = arith.mulf %mul3A_38, %exp3A : vector<512x512xf32>
    %sub3A = arith.constant 1.000000e+00 : f32
    %sub3A_43 = vector.broadcast %sub3A : f32 to vector<512x512xf32>
    %sub3A_44 = arith.subf %sub3A_43, %mul3A_42 : vector<512x512xf32>
    %sign3A = tpu.bitcast %mul3A_11 : vector<512x512xf32> -> vector<512x512xi32>
    %sign3A_45 = arith.constant -2147483648 : i32
    %sign3A_46 = vector.broadcast %sign3A_45 : i32 to vector<512x512xi32>
    %sign3A_47 = arith.andi %sign3A, %sign3A_46 : vector<512x512xi32>
    %sign3A_48 = arith.constant 1065353216 : i32
    %sign3A_49 = vector.broadcast %sign3A_48 : i32 to vector<512x512xi32>
    %sign3A_50 = arith.ori %sign3A_49, %sign3A_47 : vector<512x512xi32>
    %sign3A_51 = tpu.bitcast %sign3A_50 : vector<512x512xi32> -> vector<512x512xf32>
    %sign3A_52 = math.absf %mul3A_11 : vector<512x512xf32>
    %sign3A_53 = arith.constant 0.000000e+00 : f32
    %sign3A_54 = vector.broadcast %sign3A_53 : f32 to vector<512x512xf32>
    %sign3A_55 = arith.cmpf ogt, %sign3A_52, %sign3A_54 : vector<512x512xf32>
    %sign3A_56 = arith.select %sign3A_55, %sign3A_51, %mul3A_11 : vector<512x512xi1>, vector<512x512xf32>
    %mul3A_57 = arith.mulf %sign3A_56, %sub3A_44 : vector<512x512xf32>
    %mul3A_58 = arith.constant 5.000000e-01 : f32
    %mul3A_59 = vector.broadcast %mul3A_58 : f32 to vector<512x512xf32>
    %mul3A_60 = arith.mulf %mul3A_59, %add3A_9 : vector<512x512xf32>
    %add3A_61 = arith.constant 1.000000e+00 : f32
    %add3A_62 = vector.broadcast %add3A_61 : f32 to vector<512x512xf32>
    %add3A_63 = arith.addf %add3A_62, %mul3A_57 : vector<512x512xf32>
    %mul3A_64 = arith.mulf %mul3A_60, %add3A_63 : vector<512x512xf32>
    %get3A_65 = arith.constant 0 : index
    %get3A_66 = arith.constant 0 : index
    %get3A_67 = vector.load %arg4[%get3A_65, %get3A_66] : memref<512x1024xf32, #tpu.memory_space<vmem>>, vector<512x1024xf32>
    %dot_general3A_68 = arith.constant dense<0.000000e+00> : vector<512x1024xf32>
    %dot_general3A_69 = tpu.matmul %mul3A_64, %get3A_67, %dot_general3A_68 {dimension_numbers = #tpu.dot_dimension_numbers<[1], [0], [0], [1], [0, 0, 1, 1], [], []>, transpose_lhs_hint = false} : vector<512x512xf32>, vector<512x1024xf32>, vector<512x1024xf32> -> vector<512x1024xf32>
    %get3A_70 = arith.constant 0 : index
    %get3A_71 = arith.constant 0 : index
    %get3A_72 = vector.load %arg5[%get3A_70, %get3A_71] : memref<1x1024xf32, #tpu.memory_space<vmem>>, vector<1x1024xf32>
    %add3A_73 = vector.broadcast %get3A_72 : vector<1x1024xf32> to vector<512x1024xf32>
    %add3A_74 = arith.addf %dot_general3A_69, %add3A_73 : vector<512x1024xf32>
    %swap3A = arith.constant 0 : index
    %swap3A_75 = arith.constant 0 : index
    %swap3A_76 = vector.load %arg6[%swap3A, %swap3A_75] : memref<512x1024xf32, #tpu.memory_space<vmem>>, vector<512x1024xf32>
    tpu.vector_store %arg6[%swap3A, %swap3A_75], %add3A_74 {strides = array<i32>} : memref<512x1024xf32, #tpu.memory_space<vmem>>, vector<512x1024xf32>,
    return
  }
  func.func @transform_0(%arg0: i32) -> (i32, i32) {
    %c0_i32 = arith.constant 0 : i32
    %c0_i32_0 = arith.constant 0 : i32
    return %arg0, %c0_i32 : i32, i32
  }
  func.func @transform_1(%arg0: i32) -> (i32, i32) {
    %c0_i32 = arith.constant 0 : i32
    %c0_i32_0 = arith.constant 0 : i32
    %c0_i32_1 = arith.constant 0 : i32
    return %c0_i32, %c0_i32_0 : i32, i32
  }
  func.func @transform_2(%arg0: i32) -> (i32, i32) {
    %c0_i32 = arith.constant 0 : i32
    %c0_i32_0 = arith.constant 0 : i32
    %c0_i32_1 = arith.constant 0 : i32
    return %c0_i32, %c0_i32_0 : i32, i32
  }
  func.func @transform_3(%arg0: i32) -> (i32, i32) {
    %c0_i32 = arith.constant 0 : i32
    %c0_i32_0 = arith.constant 0 : i32
    %c0_i32_1 = arith.constant 0 : i32
    return %c0_i32, %c0_i32_0 : i32, i32
  }
  func.func @transform_4(%arg0: i32) -> (i32, i32) {
    %c0_i32 = arith.constant 0 : i32
    %c0_i32_0 = arith.constant 0 : i32
    %c0_i32_1 = arith.constant 0 : i32
    return %c0_i32, %c0_i32_0 : i32, i32
  }
  func.func @transform_5(%arg0: i32) -> (i32, i32) {
    %c0_i32 = arith.constant 0 : i32
    %c0_i32_0 = arith.constant 0 : i32
    return %arg0, %c0_i32 : i32, i32
  }
}

</mosaic_0001>

<sc_bundles>
// kernel: gather_offload_async_start.1
scs
__scs_entry_jumppad:
0x0: {  	(pc) =	sbr.rel $0x88, $3  }
0x1: {  	(tag) =	ssettag $0x0;
	lr =	simm.s32 $0x1  }
0x2: {  	[smem:$0x3F97] =	sst lr;
	_ =	strace $0xD0000000  }
0x3: {  	_ = 	snop  }
0x4: {  	_ = 	snop  }
0x5: {  	_ = 	snop  }
0x6: {  	_ = 	snop  }
0x7: {  	_ = 	snop  }
__scs_overlays_trampoline_lowered:
0x8: {  	[smem:$0x3FA6] =	sst s0  }
0x9: {  	[smem:$0x3FA7] =	sst s1  }
0xa: {  	[smem:$0x3FA8] =	sst s2  }
0xb: {  	[smem:$0x3FA9] =	sst s3  }
0xc: {  	[smem:$0x3FAA] =	sst s4  }
0xd: {  	[smem:$0x3FAB] =	sst s5  }
0xe: {  	[smem:$0x3FAC] =	sst s6  }
0xf: {  	[smem:$0x3FAD] =	sst s7  }
0x10: {  	[smem:$0x3FAE] =	sst s8  }
0x11: {  	[smem:$0x3FAF] =	sst s9;
	s0 =	simm.s32 @!p0 $0x0  }
0x12: {  	s1 =	sld [smem:$0x3F95];
	s0 =	simm.s32 @p0 $0x1  }
0x13: {  	[smem:$0x3FB0] =	sst s0;
	s0 =	simm.s32 @!p1 $0x0  }
0x14: {  	s2 =	sld [smem:$0x3F94];
	s0 =	simm.s32 @p1 $0x1  }
0x15: {  	[smem:$0x3FB1] =	sst s0;
	s0 =	simm.s32 @!p2 $0x0  }
0x16: {  	s3 =	sld [smem:$0x3FDB];
	s0 =	simm.s32 @p2 $0x1  }
0x17: {  	s4 =	simm.s32 $0x1BF5;
	[smem:$0x3FB3] =	sst s0  }
0x18: {  	s0 =	sld [smem:$0x3F96];
	_ =	swait.ge [sflag:s4], $0x0  }
0x19: {  	s7 =	sld [smem:$0x3F97]  }
0x1a: {  	s8 =	sadd.s32 $0xFFFFE003, lr  }
0x1b: {  	s9 =	sadd.s32 $0xFFFFFEF7, lr;
	s5 =	simm.s32 $0xFFFFFFFF;
	p2 =	slt.u32 s8, $0xFFFFF086  }
0x1c: {  	p1 =	slt.u32 s9, $0xF7A;
	s5 =	simm.s32 @!p2 $0x0  }
0x1d: {  	s5 =	simm.s32 @p1 $0x1;
	p0 =	seq.s32 s7, s2  }
0x1e: {  	s7 =	smul.u32 @!p0 $0xF7A, s2;
	p2 =	seq.s32 @!p0 s5, $0x0  }
0x1f: {  	s9 =	smul.u32 $0xF7A, s1;
	s8 =	simm.s32 @!p0 $0x1BF5;
	p2 =	por !p2, p0  }
0x20: {  	[sflag:s8] =	ssyncset.s32 @!p0 $0xFFFFF086;
	s6 =	sadd.s32 @!p0 s3, s7;
	s7 =	simm.s32 @!p0 $0x108  }
0x21: {  	s3 =	sadd.s32 s3, s9;
	s6 =	sadd.s32 @!p0 $0x88, s6;
	s7 =	simm.s32 @p2 $0x1082  }
0x22: {  	[simem:s7], [sflag:s8] =	dma.local @!p0 [hbm:s6], $0xF7A  }
0x23: {  	s9 =	sor.u32 $0xD0000000, s2;
	s6 =	simm.s32 $0x108;
	_ =	swait.ge @!p0 [sflag:s8], $0x0  }
0x24: {  	s3 =	sadd.s32 $0x88, s3;
	s6 =	simm.s32 @!p1 $0x1082;
	[sflag:s4] =	ssyncset.s32 $0xFFFFF086  }
0x25: {  	[simem:s6], [sflag:s4] =	dma.local [hbm:s3], $0xF7A  }
0x26: {  	[smem:$0x3F97] =	sst s1;
	(tag) =	ssettag s2;
	_ =	strace s9  }
0x27: {  	s1 =	sld [smem:$0x3FA7]  }
0x28: {  	s2 =	sld [smem:$0x3FA8]  }
0x29: {  	s4 =	sld [smem:$0x3FAA]  }
0x2a: {  	p0 =	seq.s32 s5, $0x0;
	s5 =	sld [smem:$0x3FAB]  }
0x2b: {  	s6 =	sld [smem:$0x3FAC]  }
0x2c: {  	s7 =	sld [smem:$0x3FAD]  }
0x2d: {  	s3 =	simm.s32 $0x108;
	s8 =	sld [smem:$0x3FAE]  }
0x2e: {  	s3 =	simm.s32 @!p0 $0x1082;
	s9 =	sld [smem:$0x3FAF]  }
0x2f: {  	lr =	sadd.s32 s0, s3;
	s0 =	sld [smem:$0x3FA6]  }
0x30: {  	s3 =	sld [smem:$0x3FA9]  }
0x31: {  	[smem:$0x3FB2] =	sst s10  }
0x32: {  	s10 =	sld [smem:$0x3FB0];
	_ =	sdelay $0x3  }
0x33: {  	p0 =	seq.s32 s10, $0x1;
	s10 =	sld [smem:$0x3FB2];
	_ =	sdelay $0x3  }
0x34: {  	[smem:$0x3FB2] =	sst s10  }
0x35: {  	s10 =	sld [smem:$0x3FB1];
	_ =	sdelay $0x3  }
0x36: {  	p1 =	seq.s32 s10, $0x1;
	s10 =	sld [smem:$0x3FB2];
	_ =	sdelay $0x3  }
0x37: {  	[smem:$0x3FB2] =	sst s10  }
0x38: {  	s10 =	sld [smem:$0x3FB3]  }
0x39: {  	_ = 	snop;
	(pc) =	sbr.ind lr, $3  }
0x3a: {  	_ = 	snop  }
0x3b: {  	_ = 	snop  }
0x3c: {  	p2 =	seq.s32 s10, $0x1;
	s10 =	sld [smem:$0x3FB2]  }
0x3d: {  	_ =	shalt  }
0x3e: {  	_ =	shalt  }
0x3f: {  	_ =	shalt  }
0x40: {  	_ =	shalt  }
0x41: {  	_ =	shalt  }
0x42: {  	_ =	shalt  }
0x43: {  	_ =	shalt  }
0x44: {  	_ =	shalt  }
0x45: {  	_ =	shalt  }
0x46: {  	_ =	shalt  }
0x47: {  	_ =	shalt  }
0x48: {  	_ =	shalt  }
0x49: {  	_ =	shalt  }
0x4a: {  	_ =	shalt  }
0x4b: {  	_ =	shalt  }
0x4c: {  	_ =	shalt  }
0x4d: {  	_ =	shalt  }
0x4e: {  	_ =	shalt  }
0x4f: {  	_ =	shalt  }
0x50: {  	_ =	shalt  }
0x51: {  	_ =	shalt  }
0x52: {  	_ =	shalt  }
0x53: {  	_ =	shalt  }
0x54: {  	_ =	shalt  }
0x55: {  	_ =	shalt  }
0x56: {  	_ =	shalt  }
0x57: {  	_ =	shalt  }
0x58: {  	_ =	shalt  }
0x59: {  	_ =	shalt  }
0x5a: {  	_ =	shalt  }
0x5b: {  	_ =	shalt  }
0x5c: {  	_ =	shalt  }
0x5d: {  	_ =	shalt  }
0x5e: {  	_ =	shalt  }
0x5f: {  	_ =	shalt  }
0x60: {  	_ =	shalt  }
0x61: {  	_ =	shalt  }
0x62: {  	_ =	shalt  }
0x63: {  	_ =	shalt  }
0x64: {  	_ =	shalt  }
0x65: {  	_ =	shalt  }
0x66: {  	_ =	shalt  }
0x67: {  	_ =	shalt  }
0x68: {  	_ =	shalt  }
0x69: {  	_ =	shalt  }
0x6a: {  	_ =	shalt  }
0x6b: {  	_ =	shalt  }
0x6c: {  	_ =	shalt  }
0x6d: {  	_ =	shalt  }
0x6e: {  	_ =	shalt  }
0x6f: {  	_ =	shalt  }
0x70: {  	_ =	shalt  }
0x71: {  	_ =	shalt  }
0x72: {  	_ =	shalt  }
0x73: {  	_ =	shalt  }
0x74: {  	_ =	shalt  }
0x75: {  	_ =	shalt  }
0x76: {  	_ =	shalt  }
0x77: {  	_ =	shalt  }
0x78: {  	_ =	shalt  }
0x79: {  	_ =	shalt  }
0x7a: {  	_ =	shalt  }
0x7b: {  	_ =	shalt  }
0x7c: {  	_ =	shalt  }
0x7d: {  	_ =	shalt  }
0x7e: {  	_ =	shalt  }
0x7f: {  	_ =	shalt  }
0x80: {  	_ =	shalt  }
0x81: {  	_ =	shalt  }
0x82: {  	_ =	shalt  }
0x83: {  	_ =	shalt  }
0x84: {  	_ =	shalt  }
0x85: {  	_ =	shalt  }
0x86: {  	_ =	shalt  }
0x87: {  	_ =	shalt  }
.Lfunc_end0:
.L_simem_size_0:
called_computation.1_lowered:
.L_overlay_start_0:
0x88: {  	s2 =	sld [smem:$0x3FD9]  }
0x89: {  	s3 =	sld [smem:$0x3FFE];
	_ =	sdelay $0x1  }
0x8a: {  	s1 =	srdreg.scid  }
0x8b: {  	s0 =	sand.u32 $0x1, s1  }
0x8c: {  	s15 =	sshll.u32 s0, $0xA;
	s2 =	sadd.s32 s3, s2  }
0x8d: {  	s2 =	sadd.s32 s2, s15  }
0x8e: {  	[smem:$0x3FBE] =	sst s2  }
0x8f: {  	_ = 	snop  }
0x90: {  	s2 =	sld [smem:$0x3FD0];
	_ =	sdelay $0x2  }
0x91: {  	s16 =	simm.s32 $0xB;
	s4 =	simm.s32 $0x10  }
0x92: {  	[smem:s4], [sflag:s16] =	dma.local [hbm:s2], $0x1  }
0x93: {  	_ =	swait.eq [sflag:s16], $0x1  }
0x94: {  	[sflag:s16] =	ssyncset.done $0x0  }
0x95: {  	[sflag:s16] =	ssyncadd.s32 $0xFFFFFFFF  }
0x96: {  	s17 =	sld [smem:$0x10];
	(tm) =	ssettm $0x1  }
0x97: {  	s18 =	sld [smem:$0x3FFB];
	_ =	sdelay $0x3  }
0x98: {  	_ =	strace s18  }
0x99: {  	s2 =	sld [smem:$0x3FFC];
	_ =	sdelay $0x3  }
0x9a: {  	_ =	strace s2  }
0x9b: {  	s2 =	sld [smem:$0x3FFD];
	_ =	sdelay $0x3  }
0x9c: {  	_ =	strace s2  }
0x9d: {  	_ =	strace $0x8FFFFFFF  }
0x9e: {  	s19 =	sld [smem:$0x3FDB];
	_ =	sdelay $0x1  }
0x9f: {  	s20 =	simm.s32 $_scs_section_size  }
0xa0: {  	s5 =	simm.s32 $_size__tile_overlayer_lowered;
	s6 =	simm.s32 $_tile_overlayer_lowered  }
0xa1: {  	s7 =	simm.s32 $0x1BFF;
	s21 =	sshll.u32 s6, $0x1;
	s4 =	sadd.s32 s20, s19  }
0xa2: {  	s22 =	simm.s32 $0x0;
	s5 =	sshll.u32 s5, $0x1;
	s6 =	sadd.s32 s21, s4  }
0xa3: {  	[timem:s22], [sflag:s7] =	dma.local [hbm:s6], s5  }
0xa4: {  	_ =	swait.ge [sflag:s7], s5  }
0xa5: {  	s5 =	ssub.s32 $0x0, s5;
	[sflag:s7] =	ssyncset.done $0x0  }
0xa6: {  	[sflag:s7] =	ssyncadd.s32 s5;
	_ =	sdelay $0x1  }
0xa7: {  	s23 =	simm.s32 $0x1B8B  }
0xa8: {  	_ =	swait.ge [sflag:s23], $0x1  }
0xa9: {  	[sflag:s23] =	ssyncset.done $0x0  }
0xaa: {  	[sflag:s23] =	ssyncadd.s32 $0xFFFFFFFF  }
0xab: {  	s5 =	sld [smem:$0x0]  }
0xac: {  	s6 =	sand.u32 $0xFFFFFFFE, s1  }
0xad: {  	p0 =	sne.s32 s1, s6  }
0xae: {  	s6 =	sshll.u32 @p0 s6, $0xE  }
0xaf: {  	s6 =	sadd.s32 @p0 $0x11B8D, s6;
	s7 =	sshll.u32 @p0 s5, $0x11  }
0xb0: {  	s6 =	sor.u32 @p0 s7, s6  }
0xb1: {  	[sflag:s6] =	ssyncadd.remote.s32 @p0 $0x1;
	_ =	sdelay $0x1  }
0xb2: {  	s6 =	simm.s32 @p0 $0x1B8D  }
0xb3: {  	_ =	swait.eq @p0 [sflag:s6], $0x1  }
0xb4: {  	[sflag:s6] =	ssyncadd.s32 @p0 $0xFFFFFFFF  }
0xb5: {  	s7 =	sshll.u32 @!p0 s1, $0xE  }
0xb6: {  	s7 =	sor.u32 @!p0 $0x4000, s7;
	s6 =	simm.s32 @!p0 $0x1B8D  }
0xb7: {  	s5 =	sshll.u32 @!p0 s5, $0x11;
	s7 =	sadd.s32 @!p0 $0x11B8D, s7;
	_ =	swait.eq @!p0 [sflag:s6], $0x1  }
0xb8: {  	s5 =	sor.u32 @!p0 s5, s7;
	[sflag:s6] =	ssyncadd.s32 @!p0 $0xFFFFFFFF  }
0xb9: {  	s25 =	simm.s32 $0x1B8E;
	s24 =	sld [smem:$0x3FFE];
	[sflag:s5] =	ssyncadd.remote.s32 @!p0 $0x1  }
0xba: {  	s26 =	simm.s32 $execute0_lowered;
	[smem:$0x3FD2] =	sst s25  }
0xbb: {  	s6 =	sshll.u32 s26, $0x1;
	_ =	strace $0x8000004C;
	[dreg:$0x1] =	wrdreg $0xFFFFFFFF  }
0xbc: {  	s28 =	simm.s32 $_size_execute0_lowered;
	s4 =	sadd.s32 s4, s6;
	[dreg:$0x0] =	wrdreg $0x0  }
0xbd: {  	s6 =	sshll.u32 s28, $0x1;
	[dreg:$0x2] =	wrdreg s4  }
0xbe: {  	[dreg:$0x3] =	wrdreg s6  }
0xbf: {  	[dreg:$0x4] =	wrdreg $0xC0  }
0xc0: {  	_ =	task [dreg:s22], $0x5FFFF  }
0xc1: {  	[dreg:$0x1] =	wrdreg $0xFFFFFFFF  }
0xc2: {  	[dreg:$0x0] =	wrdreg $0x60  }
0xc3: {  	[dreg:$0x2] =	wrdreg s24  }
0xc4: {  	[dreg:$0x3] =	wrdreg s17  }
0xc5: {  	[dreg:$0x4] =	wrdreg $0x9  }
0xc6: {  	_ =	task.clear_ibuf [dreg:s22], $0x5FFFF;
	_ =	strace $0x9000004C  }
0xc7: {  	s29 =	simm.s32 $0x9;
	_ =	strace $0x8000004E  }
0xc8: {  	_ =	swait.ge [sflag:s29], $0x1  }
0xc9: {  	[sflag:s29] =	ssyncadd.s32 $0xFFFFFFFF  }
0xca: {  	_ =	strace $0x9000004E  }
0xcb: {  	_ =	sfence  }
0xcc: {  	s30 =	sld [smem:$0x0];
	_ =	sdelay $0x2  }
0xcd: {  	s31 =	sshll.u32 s1, $0xD;
	s1 =	sshrl.u32 s1, $0x2  }
0xce: {  	s4 =	sand.u32 $0x4000, s31;
	s1 =	sadd.s32 s1, s30  }
0xcf: {  	s0 =	sor.u32 s4, s0;
	s1 =	sshll.u32 s1, $0x11  }
0xd0: {  	s0 =	sor.u32 s1, s0  }
0xd1: {  	s0 =	sadd.s32 $0x8F2B, s0  }
0xd2: {  	[sflag:s0] =	ssyncadd.remote.s32 $0x1  }
0xd3: {  	_ =	sfence.sel $0xFFFF  }
0xd4: {  	[dreg:$0x0] =	wrdreg $0xFFFFFFFF;
	(pc) =	sbr.abs _section_cstart, $3  }
0xd5: {  	[dreg:$0x1] =	wrdreg $0xFFFFFFFF  }
0xd6: {  	_ =	task.clear_ibuf [dreg:s22], $0x2FFFF;
	_ =	strace $0x9FFFFFFF  }
0xd7: {  	(tm) =	ssettm $0x7FFFFFFF  }
tec
execute0_lowered:
.L_overlay_start_1:
0x0: {  	(tag) =	ssettag $0x1  }
0x1: {  	s7 =	rddreg [dreg:$0x0]  }
0x2: {  	s2 =	rddreg [dreg:$0x1]  }
0x3: {  	s0 =	rddreg [dreg:$0x2]  }
0x4: {  	s1 =	srdreg.scid;
	_ =	strace $0x8000004D;
	s4 =	simm.s32 $0x1  }
0x5: {  	s9 =	simm.s32 $0x3;
	s11 =	simm.s32 $0x0;
	s5 =	sshll.u32 s1, $0x4  }
.Ltmp0:
0x6: {  	s1 =	stileid.u32;
	s5 =	sand.u32 $0x10, s5;
	(pc) =	sbr.rel .LBB2_1-.Ltmp0, $4  }
0x7: {  	p0 =	por $0x0, $0x0;
	s3 =	sadd.s32 $0x6E00, s7;
	s6 =	sor.u32 s1, s5  }
0x8: {  	[sflag:s4] =	ssyncpa.u1 $0x0;
	s5 =	simm.s32 $0x2;
	s6 =	sshll.u32 s6, $0xA  }
0x9: {  	s7 =	sadd.s32 $0x5E00, s7;
	[sflag:s5] =	ssyncpa.u1 $0x0;
	s8 =	sadd.s32 $0x400, s6  }
0xa: {  	vm0 =	vmmov $0xff;
	vm1 =	vcmask $0x3F20;
	[sflag:s9] =	ssyncpa.u1 $0x0;
	s10 =	smov.u32 s6;
	s9 =	simm.s32 $0x0  }
.LBB2_9:
0xb: {  	p1 =	slt.u32 s9, $0x2;
	s11 =	sadd.s32 $0x20, s10  }
0xc: {  	s13 =	smov.u32 s6;
	s9 =	sadd.s32 $0x1, s9;
	p2 =	slt.s32 s11, s8  }
0xd: {  	s13 =	smov.u32 @p2 s11;
	p2 =	sne.s32 s9, $0x22  }
.Ltmp1:
0xe: {  	_ = 	snop;
	(pc) =	sbr.rel @!p2 .LBB2_10-.Ltmp1, $4  }
0xf: {  	s12 =	simm.s32 @!p1 $0x3  }
0x10: {  	_ =	swait.ge @!p1 [sflag:s12], $0x8000  }
0x11: {  	p0 =	por !p0, !p0;
	[sflag:s12] =	ssyncset.done @!p1 $0x0  }
0x12: {  	s11 =	smov.u32 s10;
	s10 =	smov.u32 s13;
	[sflag:s12] =	ssyncadd.s32 @!p1 $0xFFFF8000  }
.LBB2_1:
0x13: {  	p1 =	sgt.u32 s9, $0x1F  }
0x14: {  	s12 =	sxor.u32 @!p1 $0xFFFFFFFF, s9  }
0x15: {  	s13 =	sshrl.u32 @!p1 s10, $0x3;
	s12 =	sshll.u32 @!p1 s12, $0x5  }
0x16: {  	s14 =	sand.u32 @!p1 $0x7, s10;
	s13 =	sadd.s32 @!p1 s7, s13;
	s12 =	sand.u32 @!p1 $0x20, s12  }
0x17: {  	[tilespmem:s12], [sflag:$0x2] =	stream.linear.gather @!p1 [hbm4b:s13+s14], $0x20, $0x38;
	[tilespmem:$0x10040] =	vst v63  }
0x18: {  	p1 =	seq.s32 s9, $0x0  }
0x19: {  	p2 =	seq.s32 @!p1 s9, $0x21  }
0x1a: {  	p1 =	por p1, p2  }
.Ltmp2:
0x1b: {  	_ = 	snop;
	(pc) =	sbr.rel @p1 .LBB2_9-.Ltmp2, $1  }
0x1c: {  	_ =	sdelay $0x3  }
0x1d: {  	s12 =	simm.s32 $0x1  }
0x1e: {  	_ =	swait.ge [sflag:s5], $0x20;
	s13 =	sand.u32 $0x1, s9;
	s12 =	simm.s32 @!p0 $0x0  }
0x1f: {  	s15 =	simm.s32 $0x0;
	p2 =	por $0x1, $0x1;
	s12 =	sshll.u32 s12, $0x11  }
0x20: {  	[sflag:s5] =	ssyncset.done $0x0;
	s13 =	sshll.u32 s13, $0x5;
	s14 =	sshrl.u32 s12, $0x2  }
0x21: {  	[sflag:s5] =	ssyncadd.s32 $0xFFFFFFE0;
	s12 =	sor.u32 $0x40, s14;
	s14 =	sadd.s32 $0x40, s14  }
.LBB2_3:
0x22: {  	s16 =	sshll.u32 s15, $0x4  }
0x23: {  	s16 =	sand.u32 $0x3FFFFFF0, s16  }
0x24: {  	s16 =	sadd.s32 s16, s13  }
0x25: {  	v0 =	vld.msk [tilespmem:s16+$0x0 ss:$0x1], $0xffff;
	_ =	sdelay $0x4  }
0x26: {  	vm2 =	vgt.s32 v0, $0x0  }
0x27: {  	v0 =	vnsel vm2, $0x0, v0  }
0x28: {  	v0 =	vmin.u32 v0, $0x14000  }
0x29: {  	v1 =	vshll.u32 v0, $0x7;
	v0 =	vshll.u32 v0, $0x4  }
0x2a: {  	v1 =	vand.u32 $0xFFFC00, v1;
	v0 =	vand.u32 $0x70, v0  }
0x2b: {  	v0 =	vor.u32 v0, v1  }
0x2c: {  	s31 =	sshll.u32 s15, $0x10  }
0x2d: {  	s15 =	sshra.s32 s31, $0x2  }
0x2e: {  	s15 =	sadd.s32 s15, s14  }
0x2f: {  	s17 =	sadd.s32 $0x0, s15  }
0x30: {  	[tilespmem:s17], [sflag:$0x1] =	stream.indirect_vreg.gather [hbm:s3], $0x80, v0, vm0, $0x38;
	[tilespmem:$0x10040] =	vst v63  }
0x31: {  	p1 =	por p2, p2;
	s16 =	simm.s32 $0x1000;
	v1 =	vadd.s32 $0x80, v0;
	s17 =	sadd.s32 $0x2000, s17  }
.LBB2_4:
0x32: {  	[tilespmem:s17], [sflag:$0x1] =	stream.indirect_vreg.gather [hbm:s3], $0x80, v0, vm1, $0x38;
	[tilespmem:$0x10040] =	vst v63  }
0x33: {  	v0 =	vmov v1;
	s17 =	smov.u32 s16;
	p2 =	sne.s32 s16, $0x7000  }
.Ltmp3:
0x34: {  	s16 =	sadd.s32 $0x1000, s16;
	(pc) =	sbr.rel @p2 .LBB2_4-.Ltmp3, $4  }
0x35: {  	s17 =	sshra.s32 s17, $0x2  }
0x36: {  	s17 =	sadd.s32 s17, s15  }
0x37: {  	[tilespmem:s17], [sflag:$0x1] =	stream.indirect_vreg.gather [hbm:s3], $0x80, v1, vm0, $0x38;
	[tilespmem:$0x10040] =	vst v63  }
0x38: {  	s17 =	sadd.s32 $0x2000, s17;
	v1 =	vadd.s32 $0x80, v1  }
0x39: {  	_ = 	snop  }
.Ltmp4:
0x3a: {  	_ = 	snop;
	(pc) =	sbr.rel @p1 .LBB2_3-.Ltmp4, $3  }
0x3b: {  	_ =	sdelay $0x1  }
0x3c: {  	[tilespmem:s17], [sflag:$0x1] =	stream.indirect_vreg.gather [hbm:s3], $0x80, v0, vm1, $0x38;
	[tilespmem:$0x10040] =	vst v63  }
0x3d: {  	s15 =	simm.s32 $0x1;
	p2 =	por $0x0, $0x0  }
0x3e: {  	s13 =	sshll.u32 s11, $0x7  }
0x3f: {  	s31 =	sshll.u32 s11, $0x4;
	s13 =	sand.u32 $0xFFFFFC00, s13  }
0x40: {  	_ =	swait.ge [sflag:s4], $0x8000;
	s11 =	sand.u32 $0x70, s31;
	s13 =	sadd.s32 s13, s2  }
0x41: {  	s14 =	sadd.s32 $0x2000, s12;
	[sflag:s4] =	ssyncset.done $0x0;
	s11 =	sadd.s32 s11, s13  }
0x42: {  	[sflag:s4] =	ssyncadd.s32 $0xFFFF8000;
	s13 =	simm.s32 $0x400;
	s15 =	sadd.s32 $0x0, s11  }
.LBB2_7:
0x43: {  	[hbm:s15] =	stream.linear.scatter [tilespmem:s12], [sflag:$0x3], $0x2000, $0x38;
	[tilespmem:$0x10040] =	vst v63  }
0x44: {  	s15 =	smov.u32 s13;
	s12 =	smov.u32 s14;
	p1 =	sne.s32 s13, $0xC00  }
.Ltmp5:
0x45: {  	s13 =	sadd.s32 $0x400, s13;
	(pc) =	sbr.rel @p1 .LBB2_7-.Ltmp5, $2  }
0x46: {  	_ =	sdelay $0x2  }
0x47: {  	s14 =	sadd.s32 $0x2000, s14;
	s15 =	sadd.s32 s15, s11  }
.Ltmp6:
0x48: {  	(pc) =	sbr.rel .LBB2_9-.Ltmp6, $2  }
0x49: {  	_ =	sdelay $0x2  }
0x4a: {  	[hbm:s15] =	stream.linear.scatter [tilespmem:s12], [sflag:$0x3], $0x2000, $0x38;
	[tilespmem:$0x10040] =	vst v63  }
.LBB2_10:
0x4b: {  	_ =	sfence.sel $0x180000  }
0x4c: {  	s2 =	simm.s32 $0x2;
	[bflag:$0x0] =	sbarrier.arrive $0xFFFF  }
0x4d: {  	s30 =	simm.s32 $0x3;
	[sflag:s2] =	ssyncpa.u1 $0x1  }
0x4e: {  	s31 =	simm.s32 $0x1;
	[sflag:s30] =	ssyncpa.u1 $0x1  }
0x4f: {  	[sflag:s31] =	ssyncpa.u1 $0x1  }
0x50: {  	p0 =	sne.s32 s1, $0x0;
	_ =	strace $0x9000004D  }
0x51: {  	s0 =	sadd.s32 @!p0 $0x100000, s0;
	[bflag:$0x2] =	sbarrier.arrive $0xFFFF  }
0x52: {  	[sflag:s0] =	ssyncadd.tile.s32 @!p0 $0x1;
	_ =	shalt  }
.Lfunc_end2:
_tile_overlayer_lowered:
.L_overlay_start_2:
0x53: {  	(tag) =	ssettag $0x2  }
0x54: {  	s0 =	rddreg [dreg:$0x0];
	s2 =	stileid.u32  }
0x55: {  	s1 =	rddreg [dreg:$0x1];
	p0 =	sne.s32 s2, $0x0  }
0x56: {  	s3 =	rddreg [dreg:$0x2];
	[bflag:$0x3] =	sbarrier.arrive $0xFFFF;
	s2 =	simm.s32 @!p0 $0x1C01  }
0x57: {  	[timem:s3], [sflag:s2] =	dma.local @!p0 [hbm:s0], s1  }
0x58: {  	s0 =	simm.s32 @!p0 $0x1  }
0x59: {  	_ =	swait.ge @!p0 [sflag:s0], s1  }
0x5a: {  	s1 =	ssub.s32 @!p0 $0x0, s1;
	[sflag:s0] =	ssyncset.done @!p0 $0x0  }
0x5b: {  	[sflag:s0] =	ssyncadd.s32 @!p0 s1  }
0x5c: {  	[bflag:$0x3] =	sbarrier.arrive $0xFFFF  }
0x5d: {  	_ =	shalt  }

// kernel: gather_offload_async_start.2
scs
__scs_entry_jumppad:
0x0: {  	(pc) =	sbr.rel $0x88, $3  }
0x1: {  	(tag) =	ssettag $0x0;
	lr =	simm.s32 $0x1  }
0x2: {  	[smem:$0x3F97] =	sst lr;
	_ =	strace $0xD0000000  }
0x3: {  	_ = 	snop  }
0x4: {  	_ = 	snop  }
0x5: {  	_ = 	snop  }
0x6: {  	_ = 	snop  }
0x7: {  	_ = 	snop  }
__scs_overlays_trampoline_lowered:
0x8: {  	[smem:$0x3FA6] =	sst s0  }
0x9: {  	[smem:$0x3FA7] =	sst s1  }
0xa: {  	[smem:$0x3FA8] =	sst s2  }
0xb: {  	[smem:$0x3FA9] =	sst s3  }
0xc: {  	[smem:$0x3FAA] =	sst s4  }
0xd: {  	[smem:$0x3FAB] =	sst s5  }
0xe: {  	[smem:$0x3FAC] =	sst s6  }
0xf: {  	[smem:$0x3FAD] =	sst s7  }
0x10: {  	[smem:$0x3FAE] =	sst s8  }
0x11: {  	[smem:$0x3FAF] =	sst s9;
	s0 =	simm.s32 @!p0 $0x0  }
0x12: {  	s1 =	sld [smem:$0x3F95];
	s0 =	simm.s32 @p0 $0x1  }
0x13: {  	[smem:$0x3FB0] =	sst s0;
	s0 =	simm.s32 @!p1 $0x0  }
0x14: {  	s2 =	sld [smem:$0x3F94];
	s0 =	simm.s32 @p1 $0x1  }
0x15: {  	[smem:$0x3FB1] =	sst s0;
	s0 =	simm.s32 @!p2 $0x0  }
0x16: {  	s3 =	sld [smem:$0x3FDB];
	s0 =	simm.s32 @p2 $0x1  }
0x17: {  	s4 =	simm.s32 $0x1BF5;
	[smem:$0x3FB3] =	sst s0  }
0x18: {  	s0 =	sld [smem:$0x3F96];
	_ =	swait.ge [sflag:s4], $0x0  }
0x19: {  	s7 =	sld [smem:$0x3F97]  }
0x1a: {  	s8 =	sadd.s32 $0xFFFFE003, lr  }
0x1b: {  	s9 =	sadd.s32 $0xFFFFFEF7, lr;
	s5 =	simm.s32 $0xFFFFFFFF;
	p2 =	slt.u32 s8, $0xFFFFF086  }
0x1c: {  	p1 =	slt.u32 s9, $0xF7A;
	s5 =	simm.s32 @!p2 $0x0  }
0x1d: {  	s5 =	simm.s32 @p1 $0x1;
	p0 =	seq.s32 s7, s2  }
0x1e: {  	s7 =	smul.u32 @!p0 $0xF7A, s2;
	p2 =	seq.s32 @!p0 s5, $0x0  }
0x1f: {  	s9 =	smul.u32 $0xF7A, s1;
	s8 =	simm.s32 @!p0 $0x1BF5;
	p2 =	por !p2, p0  }
0x20: {  	[sflag:s8] =	ssyncset.s32 @!p0 $0xFFFFF086;
	s6 =	sadd.s32 @!p0 s3, s7;
	s7 =	simm.s32 @!p0 $0x108  }
0x21: {  	s3 =	sadd.s32 s3, s9;
	s6 =	sadd.s32 @!p0 $0x88, s6;
	s7 =	simm.s32 @p2 $0x1082  }
0x22: {  	[simem:s7], [sflag:s8] =	dma.local @!p0 [hbm:s6], $0xF7A  }
0x23: {  	s9 =	sor.u32 $0xD0000000, s2;
	s6 =	simm.s32 $0x108;
	_ =	swait.ge @!p0 [sflag:s8], $0x0  }
0x24: {  	s3 =	sadd.s32 $0x88, s3;
	s6 =	simm.s32 @!p1 $0x1082;
	[sflag:s4] =	ssyncset.s32 $0xFFFFF086  }
0x25: {  	[simem:s6], [sflag:s4] =	dma.local [hbm:s3], $0xF7A  }
0x26: {  	[smem:$0x3F97] =	sst s1;
	(tag) =	ssettag s2;
	_ =	strace s9  }
0x27: {  	s1 =	sld [smem:$0x3FA7]  }
0x28: {  	s2 =	sld [smem:$0x3FA8]  }
0x29: {  	s4 =	sld [smem:$0x3FAA]  }
0x2a: {  	p0 =	seq.s32 s5, $0x0;
	s5 =	sld [smem:$0x3FAB]  }
0x2b: {  	s6 =	sld [smem:$0x3FAC]  }
0x2c: {  	s7 =	sld [smem:$0x3FAD]  }
0x2d: {  	s3 =	simm.s32 $0x108;
	s8 =	sld [smem:$0x3FAE]  }
0x2e: {  	s3 =	simm.s32 @!p0 $0x1082;
	s9 =	sld [smem:$0x3FAF]  }
0x2f: {  	lr =	sadd.s32 s0, s3;
	s0 =	sld [smem:$0x3FA6]  }
0x30: {  	s3 =	sld [smem:$0x3FA9]  }
0x31: {  	[smem:$0x3FB2] =	sst s10  }
0x32: {  	s10 =	sld [smem:$0x3FB0];
	_ =	sdelay $0x3  }
0x33: {  	p0 =	seq.s32 s10, $0x1;
	s10 =	sld [smem:$0x3FB2];
	_ =	sdelay $0x3  }
0x34: {  	[smem:$0x3FB2] =	sst s10  }
0x35: {  	s10 =	sld [smem:$0x3FB1];
	_ =	sdelay $0x3  }
0x36: {  	p1 =	seq.s32 s10, $0x1;
	s10 =	sld [smem:$0x3FB2];
	_ =	sdelay $0x3  }
0x37: {  	[smem:$0x3FB2] =	sst s10  }
0x38: {  	s10 =	sld [smem:$0x3FB3]  }
0x39: {  	_ = 	snop;
	(pc) =	sbr.ind lr, $3  }
0x3a: {  	_ = 	snop  }
0x3b: {  	_ = 	snop  }
0x3c: {  	p2 =	seq.s32 s10, $0x1;
	s10 =	sld [smem:$0x3FB2]  }
0x3d: {  	_ =	shalt  }
0x3e: {  	_ =	shalt  }
0x3f: {  	_ =	shalt  }
0x40: {  	_ =	shalt  }
0x41: {  	_ =	shalt  }
0x42: {  	_ =	shalt  }
0x43: {  	_ =	shalt  }
0x44: {  	_ =	shalt  }
0x45: {  	_ =	shalt  }
0x46: {  	_ =	shalt  }
0x47: {  	_ =	shalt  }
0x48: {  	_ =	shalt  }
0x49: {  	_ =	shalt  }
0x4a: {  	_ =	shalt  }
0x4b: {  	_ =	shalt  }
0x4c: {  	_ =	shalt  }
0x4d: {  	_ =	shalt  }
0x4e: {  	_ =	shalt  }
0x4f: {  	_ =	shalt  }
0x50: {  	_ =	shalt  }
0x51: {  	_ =	shalt  }
0x52: {  	_ =	shalt  }
0x53: {  	_ =	shalt  }
0x54: {  	_ =	shalt  }
0x55: {  	_ =	shalt  }
0x56: {  	_ =	shalt  }
0x57: {  	_ =	shalt  }
0x58: {  	_ =	shalt  }
0x59: {  	_ =	shalt  }
0x5a: {  	_ =	shalt  }
0x5b: {  	_ =	shalt  }
0x5c: {  	_ =	shalt  }
0x5d: {  	_ =	shalt  }
0x5e: {  	_ =	shalt  }
0x5f: {  	_ =	shalt  }
0x60: {  	_ =	shalt  }
0x61: {  	_ =	shalt  }
0x62: {  	_ =	shalt  }
0x63: {  	_ =	shalt  }
0x64: {  	_ =	shalt  }
0x65: {  	_ =	shalt  }
0x66: {  	_ =	shalt  }
0x67: {  	_ =	shalt  }
0x68: {  	_ =	shalt  }
0x69: {  	_ =	shalt  }
0x6a: {  	_ =	shalt  }
0x6b: {  	_ =	shalt  }
0x6c: {  	_ =	shalt  }
0x6d: {  	_ =	shalt  }
0x6e: {  	_ =	shalt  }
0x6f: {  	_ =	shalt  }
0x70: {  	_ =	shalt  }
0x71: {  	_ =	shalt  }
0x72: {  	_ =	shalt  }
0x73: {  	_ =	shalt  }
0x74: {  	_ =	shalt  }
0x75: {  	_ =	shalt  }
0x76: {  	_ =	shalt  }
0x77: {  	_ =	shalt  }
0x78: {  	_ =	shalt  }
0x79: {  	_ =	shalt  }
0x7a: {  	_ =	shalt  }
0x7b: {  	_ =	shalt  }
0x7c: {  	_ =	shalt  }
0x7d: {  	_ =	shalt  }
0x7e: {  	_ =	shalt  }
0x7f: {  	_ =	shalt  }
0x80: {  	_ =	shalt  }
0x81: {  	_ =	shalt  }
0x82: {  	_ =	shalt  }
0x83: {  	_ =	shalt  }
0x84: {  	_ =	shalt  }
0x85: {  	_ =	shalt  }
0x86: {  	_ =	shalt  }
0x87: {  	_ =	shalt  }
.Lfunc_end0:
.L_simem_size_0:
called_computation.2_lowered:
.L_overlay_start_0:
0x88: {  	s2 =	sld [smem:$0x3FD9]  }
0x89: {  	s3 =	sld [smem:$0x3FFE];
	_ =	sdelay $0x1  }
0x8a: {  	s1 =	srdreg.scid  }
0x8b: {  	s0 =	sand.u32 $0x1, s1  }
0x8c: {  	s16 =	sshll.u32 s0, $0xA;
	s2 =	sadd.s32 s3, s2  }
0x8d: {  	s2 =	sadd.s32 s2, s16  }
0x8e: {  	[smem:$0x3FBE] =	sst s2  }
0x8f: {  	_ = 	snop  }
0x90: {  	(tm) =	ssettm $0x1  }
0x91: {  	s17 =	sld [smem:$0x3FFB];
	_ =	sdelay $0x3  }
0x92: {  	_ =	strace s17  }
0x93: {  	s2 =	sld [smem:$0x3FFC];
	_ =	sdelay $0x3  }
0x94: {  	_ =	strace s2  }
0x95: {  	s2 =	sld [smem:$0x3FFD];
	_ =	sdelay $0x3  }
0x96: {  	_ =	strace s2  }
0x97: {  	_ =	strace $0x8FFFFFFF  }
0x98: {  	s18 =	sld [smem:$0x3FDB];
	_ =	sdelay $0x1  }
0x99: {  	s19 =	simm.s32 $_scs_section_size  }
0x9a: {  	s4 =	simm.s32 $_size__tile_overlayer_lowered;
	s5 =	simm.s32 $_tile_overlayer_lowered  }
0x9b: {  	s22 =	simm.s32 $0x1BFF;
	s21 =	sshll.u32 s5, $0x1;
	s2 =	sadd.s32 s19, s18  }
0x9c: {  	s6 =	simm.s32 $0x0;
	s20 =	sshll.u32 s4, $0x1;
	s4 =	sadd.s32 s21, s2  }
0x9d: {  	[timem:s6], [sflag:s22] =	dma.local [hbm:s4], s20  }
0x9e: {  	_ =	swait.ge [sflag:s22], s20  }
0x9f: {  	s3 =	ssub.s32 $0x0, s20;
	[sflag:s22] =	ssyncset.done $0x0  }
0xa0: {  	[sflag:s22] =	ssyncadd.s32 s3;
	_ =	sdelay $0x1  }
0xa1: {  	s23 =	simm.s32 $0x1B8B  }
0xa2: {  	_ =	swait.ge [sflag:s23], $0x1  }
0xa3: {  	[sflag:s23] =	ssyncset.done $0x0  }
0xa4: {  	s25 =	simm.s32 $0x1B8E;
	s24 =	sld [smem:$0x3FFE];
	[sflag:s23] =	ssyncadd.s32 $0xFFFFFFFF  }
0xa5: {  	s26 =	simm.s32 $execute0_lowered;
	[smem:$0x3FD2] =	sst s25  }
0xa6: {  	s4 =	sshll.u32 s26, $0x1;
	_ =	strace $0x80000049;
	[dreg:$0x1] =	wrdreg $0xFFFFFFFF  }
0xa7: {  	s28 =	simm.s32 $_size_execute0_lowered;
	s2 =	sadd.s32 s2, s4;
	[dreg:$0x0] =	wrdreg $0x0  }
0xa8: {  	s4 =	sshll.u32 s28, $0x1;
	[dreg:$0x2] =	wrdreg s2  }
0xa9: {  	[dreg:$0x3] =	wrdreg s4  }
0xaa: {  	[dreg:$0x4] =	wrdreg $0xC0  }
0xab: {  	_ =	task [dreg:s6], $0x5FFFF  }
0xac: {  	[dreg:$0x1] =	wrdreg $0xFFFFFFFF  }
0xad: {  	[dreg:$0x0] =	wrdreg $0x60  }
0xae: {  	[dreg:$0x2] =	wrdreg s24  }
0xaf: {  	[dreg:$0x3] =	wrdreg $0xA  }
0xb0: {  	_ =	task.clear_ibuf [dreg:s6], $0x4FFFF;
	_ =	strace $0x90000049  }
0xb1: {  	s29 =	simm.s32 $0xA;
	_ =	strace $0x8000004B  }
0xb2: {  	_ =	swait.ge [sflag:s29], $0x1  }
0xb3: {  	[sflag:s29] =	ssyncadd.s32 $0xFFFFFFFF  }
0xb4: {  	_ =	strace $0x9000004B  }
0xb5: {  	_ =	sfence  }
0xb6: {  	s30 =	sld [smem:$0x0];
	_ =	sdelay $0x2  }
0xb7: {  	s31 =	sshll.u32 s1, $0xD;
	s1 =	sshrl.u32 s1, $0x2  }
0xb8: {  	s3 =	sand.u32 $0x4000, s31;
	s1 =	sadd.s32 s1, s30  }
0xb9: {  	s0 =	sor.u32 s3, s0;
	s1 =	sshll.u32 s1, $0x11  }
0xba: {  	s0 =	sor.u32 s1, s0  }
0xbb: {  	s0 =	sadd.s32 $0x8F2B, s0  }
0xbc: {  	[sflag:s0] =	ssyncadd.remote.s32 $0x1  }
0xbd: {  	_ =	sfence.sel $0xFFFF  }
0xbe: {  	[dreg:$0x0] =	wrdreg $0xFFFFFFFF;
	(pc) =	sbr.abs _section_cstart, $3  }
0xbf: {  	[dreg:$0x1] =	wrdreg $0xFFFFFFFF  }
0xc0: {  	_ =	task.clear_ibuf [dreg:s6], $0x2FFFF;
	_ =	strace $0x9FFFFFFF  }
0xc1: {  	(tm) =	ssettm $0x7FFFFFFF  }
tec
execute0_lowered:
.L_overlay_start_1:
0x0: {  	(tag) =	ssettag $0x1  }
0x1: {  	s7 =	rddreg [dreg:$0x0]  }
0x2: {  	s0 =	rddreg [dreg:$0x1];
	_ =	strace $0x8000004A  }
0x3: {  	s1 =	srdreg.scid;
	s4 =	simm.s32 $0x1;
	s9 =	simm.s32 $0x3  }
0x4: {  	s11 =	simm.s32 $0x0;
	p0 =	por $0x0, $0x0;
	s5 =	sshll.u32 s1, $0x4  }
.Ltmp0:
0x5: {  	s1 =	stileid.u32;
	s5 =	sand.u32 $0x10, s5;
	(pc) =	sbr.rel .LBB2_1-.Ltmp0, $4  }
0x6: {  	s2 =	sadd.s32 $0x6E00, s7;
	s3 =	sadd.s32 $0x4E00, s7;
	s6 =	sor.u32 s1, s5  }
0x7: {  	[sflag:s4] =	ssyncpa.u1 $0x0;
	s5 =	simm.s32 $0x2;
	s6 =	sshll.u32 s6, $0xA  }
0x8: {  	s7 =	sadd.s32 $0xA07200, s7;
	[sflag:s5] =	ssyncpa.u1 $0x0;
	s8 =	sadd.s32 $0x400, s6  }
0x9: {  	vm0 =	vmmov $0xff;
	vm1 =	vcmask $0x3F20;
	[sflag:s9] =	ssyncpa.u1 $0x0;
	s10 =	smov.u32 s6;
	s9 =	simm.s32 $0x0  }
.LBB2_9:
0xa: {  	p1 =	slt.u32 s9, $0x2;
	s11 =	sadd.s32 $0x20, s10  }
0xb: {  	s13 =	smov.u32 s6;
	s9 =	sadd.s32 $0x1, s9;
	p2 =	slt.s32 s11, s8  }
0xc: {  	s13 =	smov.u32 @p2 s11;
	p2 =	sne.s32 s9, $0x22  }
.Ltmp1:
0xd: {  	_ = 	snop;
	(pc) =	sbr.rel @!p2 .LBB2_10-.Ltmp1, $4  }
0xe: {  	s12 =	simm.s32 @!p1 $0x3  }
0xf: {  	_ =	swait.ge @!p1 [sflag:s12], $0x8000  }
0x10: {  	p0 =	por !p0, !p0;
	[sflag:s12] =	ssyncset.done @!p1 $0x0  }
0x11: {  	s11 =	smov.u32 s10;
	s10 =	smov.u32 s13;
	[sflag:s12] =	ssyncadd.s32 @!p1 $0xFFFF8000  }
.LBB2_1:
0x12: {  	p1 =	sgt.u32 s9, $0x1F  }
0x13: {  	s12 =	sxor.u32 @!p1 $0xFFFFFFFF, s9  }
0x14: {  	s13 =	sshrl.u32 @!p1 s10, $0x3;
	s12 =	sshll.u32 @!p1 s12, $0x5  }
0x15: {  	s14 =	sand.u32 @!p1 $0x7, s10;
	s13 =	sadd.s32 @!p1 s3, s13;
	s12 =	sand.u32 @!p1 $0x20, s12  }
0x16: {  	[tilespmem:s12], [sflag:$0x2] =	stream.linear.gather @!p1 [hbm4b:s13+s14], $0x20, $0x38;
	[tilespmem:$0x10040] =	vst v63  }
0x17: {  	p1 =	seq.s32 s9, $0x0  }
0x18: {  	p2 =	seq.s32 @!p1 s9, $0x21  }
0x19: {  	p1 =	por p1, p2  }
.Ltmp2:
0x1a: {  	_ = 	snop;
	(pc) =	sbr.rel @p1 .LBB2_9-.Ltmp2, $1  }
0x1b: {  	_ =	sdelay $0x3  }
0x1c: {  	s12 =	simm.s32 $0x1  }
0x1d: {  	_ =	swait.ge [sflag:s5], $0x20;
	s13 =	sand.u32 $0x1, s9;
	s12 =	simm.s32 @!p0 $0x0  }
0x1e: {  	s15 =	simm.s32 $0x0;
	p2 =	por $0x1, $0x1;
	s12 =	sshll.u32 s12, $0x11  }
0x1f: {  	[sflag:s5] =	ssyncset.done $0x0;
	s13 =	sshll.u32 s13, $0x5;
	s14 =	sshrl.u32 s12, $0x2  }
0x20: {  	[sflag:s5] =	ssyncadd.s32 $0xFFFFFFE0;
	s12 =	sor.u32 $0x40, s14;
	s14 =	sadd.s32 $0x40, s14  }
.LBB2_3:
0x21: {  	s16 =	sshll.u32 s15, $0x4  }
0x22: {  	s16 =	sand.u32 $0x3FFFFFF0, s16  }
0x23: {  	s16 =	sadd.s32 s16, s13  }
0x24: {  	v0 =	vld.msk [tilespmem:s16+$0x0 ss:$0x1], $0xffff;
	_ =	sdelay $0x4  }
0x25: {  	vm2 =	vgt.s32 v0, $0x0  }
0x26: {  	v0 =	vnsel vm2, $0x0, v0  }
0x27: {  	v0 =	vmin.u32 v0, $0x14000  }
0x28: {  	v1 =	vshll.u32 v0, $0x7;
	v0 =	vshll.u32 v0, $0x4  }
0x29: {  	v1 =	vand.u32 $0xFFFC00, v1;
	v0 =	vand.u32 $0x70, v0  }
0x2a: {  	v0 =	vor.u32 v0, v1  }
0x2b: {  	s31 =	sshll.u32 s15, $0x10  }
0x2c: {  	s15 =	sshra.s32 s31, $0x2  }
0x2d: {  	s15 =	sadd.s32 s15, s14  }
0x2e: {  	s17 =	sadd.s32 $0x0, s15  }
0x2f: {  	[tilespmem:s17], [sflag:$0x1] =	stream.indirect_vreg.gather [hbm:s2], $0x80, v0, vm0, $0x38;
	[tilespmem:$0x10040] =	vst v63  }
0x30: {  	p1 =	por p2, p2;
	s16 =	simm.s32 $0x1000;
	v1 =	vadd.s32 $0x80, v0;
	s17 =	sadd.s32 $0x2000, s17  }
.LBB2_4:
0x31: {  	[tilespmem:s17], [sflag:$0x1] =	stream.indirect_vreg.gather [hbm:s2], $0x80, v0, vm1, $0x38;
	[tilespmem:$0x10040] =	vst v63  }
0x32: {  	v0 =	vmov v1;
	s17 =	smov.u32 s16;
	p2 =	sne.s32 s16, $0x7000  }
.Ltmp3:
0x33: {  	s16 =	sadd.s32 $0x1000, s16;
	(pc) =	sbr.rel @p2 .LBB2_4-.Ltmp3, $4  }
0x34: {  	s17 =	sshra.s32 s17, $0x2  }
0x35: {  	s17 =	sadd.s32 s17, s15  }
0x36: {  	[tilespmem:s17], [sflag:$0x1] =	stream.indirect_vreg.gather [hbm:s2], $0x80, v1, vm0, $0x38;
	[tilespmem:$0x10040] =	vst v63  }
0x37: {  	s17 =	sadd.s32 $0x2000, s17;
	v1 =	vadd.s32 $0x80, v1  }
0x38: {  	_ = 	snop  }
.Ltmp4:
0x39: {  	_ = 	snop;
	(pc) =	sbr.rel @p1 .LBB2_3-.Ltmp4, $3  }
0x3a: {  	_ =	sdelay $0x1  }
0x3b: {  	[tilespmem:s17], [sflag:$0x1] =	stream.indirect_vreg.gather [hbm:s2], $0x80, v0, vm1, $0x38;
	[tilespmem:$0x10040] =	vst v63  }
0x3c: {  	s15 =	simm.s32 $0x1;
	p2 =	por $0x0, $0x0  }
0x3d: {  	s13 =	sshll.u32 s11, $0x7  }
0x3e: {  	s31 =	sshll.u32 s11, $0x4;
	s13 =	sand.u32 $0xFFFFFC00, s13  }
0x3f: {  	_ =	swait.ge [sflag:s4], $0x8000;
	s11 =	sand.u32 $0x70, s31;
	s13 =	sadd.s32 s13, s7  }
0x40: {  	s14 =	sadd.s32 $0x2000, s12;
	[sflag:s4] =	ssyncset.done $0x0;
	s11 =	sadd.s32 s11, s13  }
0x41: {  	[sflag:s4] =	ssyncadd.s32 $0xFFFF8000;
	s13 =	simm.s32 $0x400;
	s15 =	sadd.s32 $0x0, s11  }
.LBB2_7:
0x42: {  	[hbm:s15] =	stream.linear.scatter [tilespmem:s12], [sflag:$0x3], $0x2000, $0x38;
	[tilespmem:$0x10040] =	vst v63  }
0x43: {  	s15 =	smov.u32 s13;
	s12 =	smov.u32 s14;
	p1 =	sne.s32 s13, $0xC00  }
.Ltmp5:
0x44: {  	s13 =	sadd.s32 $0x400, s13;
	(pc) =	sbr.rel @p1 .LBB2_7-.Ltmp5, $2  }
0x45: {  	_ =	sdelay $0x2  }
0x46: {  	s14 =	sadd.s32 $0x2000, s14;
	s15 =	sadd.s32 s15, s11  }
.Ltmp6:
0x47: {  	(pc) =	sbr.rel .LBB2_9-.Ltmp6, $2  }
0x48: {  	_ =	sdelay $0x2  }
0x49: {  	[hbm:s15] =	stream.linear.scatter [tilespmem:s12], [sflag:$0x3], $0x2000, $0x38;
	[tilespmem:$0x10040] =	vst v63  }
.LBB2_10:
0x4a: {  	_ =	sfence.sel $0x180000  }
0x4b: {  	s2 =	simm.s32 $0x2;
	[bflag:$0x0] =	sbarrier.arrive $0xFFFF  }
0x4c: {  	s30 =	simm.s32 $0x3;
	[sflag:s2] =	ssyncpa.u1 $0x1  }
0x4d: {  	s31 =	simm.s32 $0x1;
	[sflag:s30] =	ssyncpa.u1 $0x1  }
0x4e: {  	[sflag:s31] =	ssyncpa.u1 $0x1  }
0x4f: {  	p0 =	sne.s32 s1, $0x0;
	_ =	strace $0x9000004A  }
0x50: {  	s0 =	sadd.s32 @!p0 $0x100000, s0;
	[bflag:$0x2] =	sbarrier.arrive $0xFFFF  }
0x51: {  	[sflag:s0] =	ssyncadd.tile.s32 @!p0 $0x1;
	_ =	shalt  }
.Lfunc_end2:
_tile_overlayer_lowered:
.L_overlay_start_2:
0x52: {  	(tag) =	ssettag $0x2  }
0x53: {  	s0 =	rddreg [dreg:$0x0];
	s2 =	stileid.u32  }
0x54: {  	s1 =	rddreg [dreg:$0x1];
	p0 =	sne.s32 s2, $0x0  }
0x55: {  	s3 =	rddreg [dreg:$0x2];
	[bflag:$0x3] =	sbarrier.arrive $0xFFFF;
	s2 =	simm.s32 @!p0 $0x1C01  }
0x56: {  	[timem:s3], [sflag:s2] =	dma.local @!p0 [hbm:s0], s1  }
0x57: {  	s0 =	simm.s32 @!p0 $0x1  }
0x58: {  	_ =	swait.ge @!p0 [sflag:s0], s1  }
0x59: {  	s1 =	ssub.s32 @!p0 $0x0, s1;
	[sflag:s0] =	ssyncset.done @!p0 $0x0  }
0x5a: {  	[sflag:s0] =	ssyncadd.s32 @!p0 s1  }
0x5b: {  	[bflag:$0x3] =	sbarrier.arrive $0xFFFF  }
0x5c: {  	_ =	shalt  }

// kernel: gather_offload_async_start
scs
__scs_entry_jumppad:
0x0: {  	(pc) =	sbr.rel $0x88, $3  }
0x1: {  	(tag) =	ssettag $0x0;
	lr =	simm.s32 $0x1  }
0x2: {  	[smem:$0x3F97] =	sst lr;
	_ =	strace $0xD0000000  }
0x3: {  	_ = 	snop  }
0x4: {  	_ = 	snop  }
0x5: {  	_ = 	snop  }
0x6: {  	_ = 	snop  }
0x7: {  	_ = 	snop  }
__scs_overlays_trampoline_lowered:
0x8: {  	[smem:$0x3FA6] =	sst s0  }
0x9: {  	[smem:$0x3FA7] =	sst s1  }
0xa: {  	[smem:$0x3FA8] =	sst s2  }
0xb: {  	[smem:$0x3FA9] =	sst s3  }
0xc: {  	[smem:$0x3FAA] =	sst s4  }
0xd: {  	[smem:$0x3FAB] =	sst s5  }
0xe: {  	[smem:$0x3FAC] =	sst s6  }
0xf: {  	[smem:$0x3FAD] =	sst s7  }
0x10: {  	[smem:$0x3FAE] =	sst s8  }
0x11: {  	[smem:$0x3FAF] =	sst s9;
	s0 =	simm.s32 @!p0 $0x0  }
0x12: {  	s1 =	sld [smem:$0x3F95];
	s0 =	simm.s32 @p0 $0x1  }
0x13: {  	[smem:$0x3FB0] =	sst s0;
	s0 =	simm.s32 @!p1 $0x0  }
0x14: {  	s2 =	sld [smem:$0x3F94];
	s0 =	simm.s32 @p1 $0x1  }
0x15: {  	[smem:$0x3FB1] =	sst s0;
	s0 =	simm.s32 @!p2 $0x0  }
0x16: {  	s3 =	sld [smem:$0x3FDB];
	s0 =	simm.s32 @p2 $0x1  }
0x17: {  	s4 =	simm.s32 $0x1BF5;
	[smem:$0x3FB3] =	sst s0  }
0x18: {  	s0 =	sld [smem:$0x3F96];
	_ =	swait.ge [sflag:s4], $0x0  }
0x19: {  	s7 =	sld [smem:$0x3F97]  }
0x1a: {  	s8 =	sadd.s32 $0xFFFFE003, lr  }
0x1b: {  	s9 =	sadd.s32 $0xFFFFFEF7, lr;
	s5 =	simm.s32 $0xFFFFFFFF;
	p2 =	slt.u32 s8, $0xFFFFF086  }
0x1c: {  	p1 =	slt.u32 s9, $0xF7A;
	s5 =	simm.s32 @!p2 $0x0  }
0x1d: {  	s5 =	simm.s32 @p1 $0x1;
	p0 =	seq.s32 s7, s2  }
0x1e: {  	s7 =	smul.u32 @!p0 $0xF7A, s2;
	p2 =	seq.s32 @!p0 s5, $0x0  }
0x1f: {  	s9 =	smul.u32 $0xF7A, s1;
	s8 =	simm.s32 @!p0 $0x1BF5;
	p2 =	por !p2, p0  }
0x20: {  	[sflag:s8] =	ssyncset.s32 @!p0 $0xFFFFF086;
	s6 =	sadd.s32 @!p0 s3, s7;
	s7 =	simm.s32 @!p0 $0x108  }
0x21: {  	s3 =	sadd.s32 s3, s9;
	s6 =	sadd.s32 @!p0 $0x88, s6;
	s7 =	simm.s32 @p2 $0x1082  }
0x22: {  	[simem:s7], [sflag:s8] =	dma.local @!p0 [hbm:s6], $0xF7A  }
0x23: {  	s9 =	sor.u32 $0xD0000000, s2;
	s6 =	simm.s32 $0x108;
	_ =	swait.ge @!p0 [sflag:s8], $0x0  }
0x24: {  	s3 =	sadd.s32 $0x88, s3;
	s6 =	simm.s32 @!p1 $0x1082;
	[sflag:s4] =	ssyncset.s32 $0xFFFFF086  }
0x25: {  	[simem:s6], [sflag:s4] =	dma.local [hbm:s3], $0xF7A  }
0x26: {  	[smem:$0x3F97] =	sst s1;
	(tag) =	ssettag s2;
	_ =	strace s9  }
0x27: {  	s1 =	sld [smem:$0x3FA7]  }
0x28: {  	s2 =	sld [smem:$0x3FA8]  }
0x29: {  	s4 =	sld [smem:$0x3FAA]  }
0x2a: {  	p0 =	seq.s32 s5, $0x0;
	s5 =	sld [smem:$0x3FAB]  }
0x2b: {  	s6 =	sld [smem:$0x3FAC]  }
0x2c: {  	s7 =	sld [smem:$0x3FAD]  }
0x2d: {  	s3 =	simm.s32 $0x108;
	s8 =	sld [smem:$0x3FAE]  }
0x2e: {  	s3 =	simm.s32 @!p0 $0x1082;
	s9 =	sld [smem:$0x3FAF]  }
0x2f: {  	lr =	sadd.s32 s0, s3;
	s0 =	sld [smem:$0x3FA6]  }
0x30: {  	s3 =	sld [smem:$0x3FA9]  }
0x31: {  	[smem:$0x3FB2] =	sst s10  }
0x32: {  	s10 =	sld [smem:$0x3FB0];
	_ =	sdelay $0x3  }
0x33: {  	p0 =	seq.s32 s10, $0x1;
	s10 =	sld [smem:$0x3FB2];
	_ =	sdelay $0x3  }
0x34: {  	[smem:$0x3FB2] =	sst s10  }
0x35: {  	s10 =	sld [smem:$0x3FB1];
	_ =	sdelay $0x3  }
0x36: {  	p1 =	seq.s32 s10, $0x1;
	s10 =	sld [smem:$0x3FB2];
	_ =	sdelay $0x3  }
0x37: {  	[smem:$0x3FB2] =	sst s10  }
0x38: {  	s10 =	sld [smem:$0x3FB3]  }
0x39: {  	_ = 	snop;
	(pc) =	sbr.ind lr, $3  }
0x3a: {  	_ = 	snop  }
0x3b: {  	_ = 	snop  }
0x3c: {  	p2 =	seq.s32 s10, $0x1;
	s10 =	sld [smem:$0x3FB2]  }
0x3d: {  	_ =	shalt  }
0x3e: {  	_ =	shalt  }
0x3f: {  	_ =	shalt  }
0x40: {  	_ =	shalt  }
0x41: {  	_ =	shalt  }
0x42: {  	_ =	shalt  }
0x43: {  	_ =	shalt  }
0x44: {  	_ =	shalt  }
0x45: {  	_ =	shalt  }
0x46: {  	_ =	shalt  }
0x47: {  	_ =	shalt  }
0x48: {  	_ =	shalt  }
0x49: {  	_ =	shalt  }
0x4a: {  	_ =	shalt  }
0x4b: {  	_ =	shalt  }
0x4c: {  	_ =	shalt  }
0x4d: {  	_ =	shalt  }
0x4e: {  	_ =	shalt  }
0x4f: {  	_ =	shalt  }
0x50: {  	_ =	shalt  }
0x51: {  	_ =	shalt  }
0x52: {  	_ =	shalt  }
0x53: {  	_ =	shalt  }
0x54: {  	_ =	shalt  }
0x55: {  	_ =	shalt  }
0x56: {  	_ =	shalt  }
0x57: {  	_ =	shalt  }
0x58: {  	_ =	shalt  }
0x59: {  	_ =	shalt  }
0x5a: {  	_ =	shalt  }
0x5b: {  	_ =	shalt  }
0x5c: {  	_ =	shalt  }
0x5d: {  	_ =	shalt  }
0x5e: {  	_ =	shalt  }
0x5f: {  	_ =	shalt  }
0x60: {  	_ =	shalt  }
0x61: {  	_ =	shalt  }
0x62: {  	_ =	shalt  }
0x63: {  	_ =	shalt  }
0x64: {  	_ =	shalt  }
0x65: {  	_ =	shalt  }
0x66: {  	_ =	shalt  }
0x67: {  	_ =	shalt  }
0x68: {  	_ =	shalt  }
0x69: {  	_ =	shalt  }
0x6a: {  	_ =	shalt  }
0x6b: {  	_ =	shalt  }
0x6c: {  	_ =	shalt  }
0x6d: {  	_ =	shalt  }
0x6e: {  	_ =	shalt  }
0x6f: {  	_ =	shalt  }
0x70: {  	_ =	shalt  }
0x71: {  	_ =	shalt  }
0x72: {  	_ =	shalt  }
0x73: {  	_ =	shalt  }
0x74: {  	_ =	shalt  }
0x75: {  	_ =	shalt  }
0x76: {  	_ =	shalt  }
0x77: {  	_ =	shalt  }
0x78: {  	_ =	shalt  }
0x79: {  	_ =	shalt  }
0x7a: {  	_ =	shalt  }
0x7b: {  	_ =	shalt  }
0x7c: {  	_ =	shalt  }
0x7d: {  	_ =	shalt  }
0x7e: {  	_ =	shalt  }
0x7f: {  	_ =	shalt  }
0x80: {  	_ =	shalt  }
0x81: {  	_ =	shalt  }
0x82: {  	_ =	shalt  }
0x83: {  	_ =	shalt  }
0x84: {  	_ =	shalt  }
0x85: {  	_ =	shalt  }
0x86: {  	_ =	shalt  }
0x87: {  	_ =	shalt  }
.Lfunc_end0:
.L_simem_size_0:
called_computation_lowered:
.L_overlay_start_0:
0x88: {  	s2 =	sld [smem:$0x3FD9]  }
0x89: {  	s3 =	sld [smem:$0x3FFE];
	_ =	sdelay $0x1  }
0x8a: {  	s1 =	srdreg.scid  }
0x8b: {  	s0 =	sand.u32 $0x1, s1  }
0x8c: {  	s14 =	sshll.u32 s0, $0xA;
	s2 =	sadd.s32 s3, s2  }
0x8d: {  	s2 =	sadd.s32 s2, s14  }
0x8e: {  	[smem:$0x3FBE] =	sst s2  }
0x8f: {  	_ = 	snop  }
0x90: {  	s2 =	sld [smem:$0x3FD0];
	_ =	sdelay $0x2  }
0x91: {  	s4 =	simm.s32 $0xB;
	s5 =	simm.s32 $0x10;
	s15 =	sld [smem:$0x3FC9]  }
0x92: {  	[smem:s5], [sflag:s4] =	dma.local [hbm:s2], $0x1  }
0x93: {  	_ =	swait.eq [sflag:s4], $0x1  }
0x94: {  	[sflag:s4] =	ssyncset.done $0x0  }
0x95: {  	[sflag:s4] =	ssyncadd.s32 $0xFFFFFFFF  }
0x96: {  	s16 =	sld [smem:$0x10];
	(tm) =	ssettm $0x1  }
0x97: {  	s17 =	sld [smem:$0x3FFB];
	_ =	sdelay $0x3  }
0x98: {  	_ =	strace s17  }
0x99: {  	s4 =	sld [smem:$0x3FFC];
	_ =	sdelay $0x3  }
0x9a: {  	_ =	strace s4  }
0x9b: {  	s4 =	sld [smem:$0x3FFD];
	_ =	sdelay $0x3  }
0x9c: {  	_ =	strace s4  }
0x9d: {  	_ =	strace $0x8FFFFFFF  }
0x9e: {  	s18 =	sld [smem:$0x3FDB];
	_ =	sdelay $0x1  }
0x9f: {  	s19 =	simm.s32 $_scs_section_size  }
0xa0: {  	s6 =	simm.s32 $_size__tile_overlayer_lowered;
	s7 =	simm.s32 $_tile_overlayer_lowered  }
0xa1: {  	s22 =	simm.s32 $0x1BFF;
	s21 =	sshll.u32 s7, $0x1;
	s4 =	sadd.s32 s19, s18  }
0xa2: {  	s8 =	simm.s32 $0x0;
	s20 =	sshll.u32 s6, $0x1;
	s6 =	sadd.s32 s21, s4  }
0xa3: {  	[timem:s8], [sflag:s22] =	dma.local [hbm:s6], s20  }
0xa4: {  	_ =	swait.ge [sflag:s22], s20  }
0xa5: {  	s5 =	ssub.s32 $0x0, s20;
	[sflag:s22] =	ssyncset.done $0x0  }
0xa6: {  	[sflag:s22] =	ssyncadd.s32 s5;
	_ =	sdelay $0x1  }
0xa7: {  	s23 =	simm.s32 $0x1B8B  }
0xa8: {  	_ =	swait.ge [sflag:s23], $0x1  }
0xa9: {  	[sflag:s23] =	ssyncset.done $0x0  }
0xaa: {  	s25 =	simm.s32 $0x1B8E;
	s24 =	sld [smem:$0x3FFE];
	[sflag:s23] =	ssyncadd.s32 $0xFFFFFFFF  }
0xab: {  	s26 =	simm.s32 $execute0_lowered;
	[smem:$0x3FD2] =	sst s25  }
0xac: {  	s6 =	sshll.u32 s26, $0x1;
	_ =	strace $0x80000046;
	[dreg:$0x1] =	wrdreg $0xFFFFFFFF  }
0xad: {  	s28 =	simm.s32 $_size_execute0_lowered;
	s4 =	sadd.s32 s4, s6;
	[dreg:$0x0] =	wrdreg $0x0  }
0xae: {  	s6 =	sshll.u32 s28, $0x1;
	[dreg:$0x2] =	wrdreg s4  }
0xaf: {  	[dreg:$0x3] =	wrdreg s6  }
0xb0: {  	[dreg:$0x4] =	wrdreg $0xC0  }
0xb1: {  	_ =	task [dreg:s8], $0x5FFFF  }
0xb2: {  	[dreg:$0x1] =	wrdreg $0xFFFFFFFF  }
0xb3: {  	[dreg:$0x0] =	wrdreg $0x60  }
0xb4: {  	[dreg:$0x2] =	wrdreg s15  }
0xb5: {  	[dreg:$0x3] =	wrdreg s16  }
0xb6: {  	[dreg:$0x4] =	wrdreg s24  }
0xb7: {  	[dreg:$0x5] =	wrdreg $0x9  }
0xb8: {  	_ =	task.clear_ibuf [dreg:s8], $0x6FFFF;
	_ =	strace $0x90000046  }
0xb9: {  	s29 =	simm.s32 $0x9;
	_ =	strace $0x80000048  }
0xba: {  	_ =	swait.ge [sflag:s29], $0x1  }
0xbb: {  	[sflag:s29] =	ssyncadd.s32 $0xFFFFFFFF  }
0xbc: {  	_ =	strace $0x90000048  }
0xbd: {  	_ =	sfence  }
0xbe: {  	s30 =	sld [smem:$0x0];
	_ =	sdelay $0x2  }
0xbf: {  	s31 =	sshll.u32 s1, $0xD;
	s1 =	sshrl.u32 s1, $0x2  }
0xc0: {  	s3 =	sand.u32 $0x4000, s31;
	s1 =	sadd.s32 s1, s30  }
0xc1: {  	s0 =	sor.u32 s3, s0;
	s1 =	sshll.u32 s1, $0x11  }
0xc2: {  	s0 =	sor.u32 s1, s0  }
0xc3: {  	s0 =	sadd.s32 $0x8F2B, s0  }
0xc4: {  	[sflag:s0] =	ssyncadd.remote.s32 $0x1  }
0xc5: {  	_ =	sfence.sel $0xFFFF  }
0xc6: {  	[dreg:$0x0] =	wrdreg $0xFFFFFFFF;
	(pc) =	sbr.abs _section_cstart, $3  }
0xc7: {  	[dreg:$0x1] =	wrdreg $0xFFFFFFFF  }
0xc8: {  	_ =	task.clear_ibuf [dreg:s8], $0x2FFFF;
	_ =	strace $0x9FFFFFFF  }
0xc9: {  	(tm) =	ssettm $0x7FFFFFFF  }
tec
execute0_lowered:
.L_overlay_start_1:
0x0: {  	(tag) =	ssettag $0x1  }
0x1: {  	s2 =	rddreg [dreg:$0x0]  }
0x2: {  	s3 =	rddreg [dreg:$0x1];
	s0 =	srdreg.scid  }
0x3: {  	s7 =	rddreg [dreg:$0x2];
	s1 =	stileid.u32;
	s6 =	simm.s32 $0x2  }
0x4: {  	s4 =	sshll.u32 s0, $0x4;
	s0 =	rddreg [dreg:$0x3];
	_ =	strace $0x80000047  }
.Ltmp0:
0x5: {  	s5 =	sand.u32 $0x10, s4;
	s4 =	simm.s32 $0x1;
	(pc) =	sbr.rel .LBB2_1-.Ltmp0, $4  }
0x6: {  	s9 =	simm.s32 $0x3;
	s5 =	sor.u32 s1, s5;
	[sflag:s4] =	ssyncpa.u1 $0x0  }
0x7: {  	s11 =	simm.s32 $0x0;
	s5 =	smul.u32 $0xA00, s5;
	[sflag:s6] =	ssyncpa.u1 $0x0  }
0x8: {  	p0 =	por $0x0, $0x0;
	s7 =	sadd.s32 $0x9600, s7;
	[sflag:s9] =	ssyncpa.u1 $0x0  }
0x9: {  	vm0 =	vmmov $0xff;
	vm1 =	vcmask $0x3F20;
	s9 =	simm.s32 $0x0;
	s8 =	sadd.s32 $0xA00, s5;
	s10 =	smov.u32 s5  }
.LBB2_9:
0xa: {  	p1 =	slt.u32 s9, $0x2;
	s11 =	sadd.s32 $0x20, s10  }
0xb: {  	s13 =	smov.u32 s5;
	s9 =	sadd.s32 $0x1, s9;
	p2 =	slt.s32 s11, s8  }
0xc: {  	s13 =	smov.u32 @p2 s11;
	p2 =	sne.s32 s9, $0x52  }
.Ltmp1:
0xd: {  	_ = 	snop;
	(pc) =	sbr.rel @!p2 .LBB2_10-.Ltmp1, $4  }
0xe: {  	s12 =	simm.s32 @!p1 $0x3  }
0xf: {  	_ =	swait.ge @!p1 [sflag:s12], $0x8000  }
0x10: {  	p0 =	por !p0, !p0;
	[sflag:s12] =	ssyncset.done @!p1 $0x0  }
0x11: {  	s11 =	smov.u32 s10;
	s10 =	smov.u32 s13;
	[sflag:s12] =	ssyncadd.s32 @!p1 $0xFFFF8000  }
.LBB2_1:
0x12: {  	p1 =	sgt.u32 s9, $0x4F  }
0x13: {  	s12 =	sxor.u32 @!p1 $0xFFFFFFFF, s9  }
0x14: {  	s31 =	sadd.s32 $0xFFFFFFFF, s9;
	s13 =	sshrl.u32 @!p1 s10, $0x3;
	s12 =	sshll.u32 @!p1 s12, $0x5  }
0x15: {  	s14 =	sand.u32 @!p1 $0x7, s10;
	s13 =	sadd.s32 @!p1 s3, s13;
	s12 =	sand.u32 @!p1 $0x20, s12  }
0x16: {  	[tilespmem:s12], [sflag:$0x2] =	stream.linear.gather @!p1 [hbm4b:s13+s14], $0x20, $0x38;
	[tilespmem:$0x10040] =	vst v63  }
0x17: {  	p1 =	sgt.u32 s31, $0x4F  }
.Ltmp2:
0x18: {  	_ = 	snop;
	(pc) =	sbr.rel @p1 .LBB2_9-.Ltmp2, $1  }
0x19: {  	_ =	sdelay $0x3  }
0x1a: {  	s12 =	simm.s32 $0x1  }
0x1b: {  	_ =	swait.ge [sflag:s6], $0x20;
	s13 =	sand.u32 $0x1, s9;
	s12 =	simm.s32 @!p0 $0x0  }
0x1c: {  	s15 =	simm.s32 $0x0;
	p2 =	por $0x1, $0x1;
	s12 =	sshll.u32 s12, $0x11  }
0x1d: {  	[sflag:s6] =	ssyncset.done $0x0;
	s13 =	sshll.u32 s13, $0x5;
	s14 =	sshrl.u32 s12, $0x2  }
0x1e: {  	[sflag:s6] =	ssyncadd.s32 $0xFFFFFFE0;
	s12 =	sor.u32 $0x40, s14;
	s14 =	sadd.s32 $0x40, s14  }
.LBB2_3:
0x1f: {  	s16 =	sshll.u32 s15, $0x4  }
0x20: {  	s16 =	sand.u32 $0x3FFFFFF0, s16  }
0x21: {  	s16 =	sadd.s32 s16, s13  }
0x22: {  	v0 =	vld.msk [tilespmem:s16+$0x0 ss:$0x1], $0xffff;
	_ =	sdelay $0x4  }
0x23: {  	vm2 =	vgt.s32 v0, $0x0  }
0x24: {  	v0 =	vnsel vm2, $0x0, v0  }
0x25: {  	v0 =	vmin.u32 v0, $0x7FFF  }
0x26: {  	v1 =	vshll.u32 v0, $0x7;
	v0 =	vshll.u32 v0, $0x4  }
0x27: {  	v1 =	vand.u32 $0x3FFC00, v1;
	v0 =	vand.u32 $0x70, v0  }
0x28: {  	v0 =	vor.u32 v0, v1  }
0x29: {  	s31 =	sshll.u32 s15, $0x10  }
0x2a: {  	s15 =	sshra.s32 s31, $0x2  }
0x2b: {  	s15 =	sadd.s32 s15, s14  }
0x2c: {  	s17 =	sadd.s32 $0x0, s15  }
0x2d: {  	[tilespmem:s17], [sflag:$0x1] =	stream.indirect_vreg.gather [hbm:s2], $0x80, v0, vm0, $0x38;
	[tilespmem:$0x10040] =	vst v63  }
0x2e: {  	p1 =	por p2, p2;
	s16 =	simm.s32 $0x1000;
	v1 =	vadd.s32 $0x80, v0;
	s17 =	sadd.s32 $0x2000, s17  }
.LBB2_4:
0x2f: {  	[tilespmem:s17], [sflag:$0x1] =	stream.indirect_vreg.gather [hbm:s2], $0x80, v0, vm1, $0x38;
	[tilespmem:$0x10040] =	vst v63  }
0x30: {  	v0 =	vmov v1;
	s17 =	smov.u32 s16;
	p2 =	sne.s32 s16, $0x7000  }
.Ltmp3:
0x31: {  	s16 =	sadd.s32 $0x1000, s16;
	(pc) =	sbr.rel @p2 .LBB2_4-.Ltmp3, $4  }
0x32: {  	s17 =	sshra.s32 s17, $0x2  }
0x33: {  	s17 =	sadd.s32 s17, s15  }
0x34: {  	[tilespmem:s17], [sflag:$0x1] =	stream.indirect_vreg.gather [hbm:s2], $0x80, v1, vm0, $0x38;
	[tilespmem:$0x10040] =	vst v63  }
0x35: {  	s17 =	sadd.s32 $0x2000, s17;
	v1 =	vadd.s32 $0x80, v1  }
0x36: {  	_ = 	snop  }
.Ltmp4:
0x37: {  	_ = 	snop;
	(pc) =	sbr.rel @p1 .LBB2_3-.Ltmp4, $3  }
0x38: {  	_ =	sdelay $0x1  }
0x39: {  	[tilespmem:s17], [sflag:$0x1] =	stream.indirect_vreg.gather [hbm:s2], $0x80, v0, vm1, $0x38;
	[tilespmem:$0x10040] =	vst v63  }
0x3a: {  	s15 =	simm.s32 $0x1;
	p2 =	por $0x0, $0x0  }
0x3b: {  	s13 =	sshll.u32 s11, $0x7  }
0x3c: {  	s31 =	sshll.u32 s11, $0x4;
	s13 =	sand.u32 $0xFFFFFC00, s13  }
0x3d: {  	_ =	swait.ge [sflag:s4], $0x8000;
	s11 =	sand.u32 $0x70, s31;
	s13 =	sadd.s32 s13, s7  }
0x3e: {  	s14 =	sadd.s32 $0x2000, s12;
	[sflag:s4] =	ssyncset.done $0x0;
	s11 =	sadd.s32 s11, s13  }
0x3f: {  	[sflag:s4] =	ssyncadd.s32 $0xFFFF8000;
	s13 =	simm.s32 $0x400;
	s15 =	sadd.s32 $0x0, s11  }
.LBB2_7:
0x40: {  	[hbm:s15] =	stream.linear.scatter [tilespmem:s12], [sflag:$0x3], $0x2000, $0x38;
	[tilespmem:$0x10040] =	vst v63  }
0x41: {  	s15 =	smov.u32 s13;
	s12 =	smov.u32 s14;
	p1 =	sne.s32 s13, $0xC00  }
.Ltmp5:
0x42: {  	s13 =	sadd.s32 $0x400, s13;
	(pc) =	sbr.rel @p1 .LBB2_7-.Ltmp5, $2  }
0x43: {  	_ =	sdelay $0x2  }
0x44: {  	s14 =	sadd.s32 $0x2000, s14;
	s15 =	sadd.s32 s15, s11  }
.Ltmp6:
0x45: {  	(pc) =	sbr.rel .LBB2_9-.Ltmp6, $2  }
0x46: {  	_ =	sdelay $0x2  }
0x47: {  	[hbm:s15] =	stream.linear.scatter [tilespmem:s12], [sflag:$0x3], $0x2000, $0x38;
	[tilespmem:$0x10040] =	vst v63  }
.LBB2_10:
0x48: {  	_ =	sfence.sel $0x180000  }
0x49: {  	s2 =	simm.s32 $0x2;
	[bflag:$0x0] =	sbarrier.arrive $0xFFFF  }
0x4a: {  	s30 =	simm.s32 $0x3;
	[sflag:s2] =	ssyncpa.u1 $0x1  }
0x4b: {  	s31 =	simm.s32 $0x1;
	[sflag:s30] =	ssyncpa.u1 $0x1  }
0x4c: {  	[sflag:s31] =	ssyncpa.u1 $0x1  }
0x4d: {  	p0 =	sne.s32 s1, $0x0;
	_ =	strace $0x90000047  }
0x4e: {  	s0 =	sadd.s32 @!p0 $0x100000, s0;
	[bflag:$0x2] =	sbarrier.arrive $0xFFFF  }
0x4f: {  	[sflag:s0] =	ssyncadd.tile.s32 @!p0 $0x1;
	_ =	shalt  }
.Lfunc_end2:
_tile_overlayer_lowered:
.L_overlay_start_2:
0x50: {  	(tag) =	ssettag $0x2  }
0x51: {  	s0 =	rddreg [dreg:$0x0];
	s2 =	stileid.u32  }
0x52: {  	s1 =	rddreg [dreg:$0x1];
	p0 =	sne.s32 s2, $0x0  }
0x53: {  	s3 =	rddreg [dreg:$0x2];
	[bflag:$0x3] =	sbarrier.arrive $0xFFFF;
	s2 =	simm.s32 @!p0 $0x1C01  }
0x54: {  	[timem:s3], [sflag:s2] =	dma.local @!p0 [hbm:s0], s1  }
0x55: {  	s0 =	simm.s32 @!p0 $0x1  }
0x56: {  	_ =	swait.ge @!p0 [sflag:s0], s1  }
0x57: {  	s1 =	ssub.s32 @!p0 $0x0, s1;
	[sflag:s0] =	ssyncset.done @!p0 $0x0  }
0x58: {  	[sflag:s0] =	ssyncadd.s32 @!p0 s1  }
0x59: {  	[bflag:$0x3] =	sbarrier.arrive $0xFFFF  }
0x5a: {  	_ =	shalt  }

</sc_bundles>
